<compile_context>
chip_gen: v7x
topology: tpu7x:2x2x1
jax: 0.10.2.dev20260603
libtpu: 0.0.44.dev20260713+nightly
codegen_flags: <defaults>
</compile_context>

<pallas_src>
import functools
import math

import jax
import jax.numpy as jnp
from jax import lax
from jax.experimental import pallas as pl
from jax.experimental.pallas import tpu as pltpu
from jax.experimental.pallas import tpu_sc as plsc

_N = 8388608
_NW = 32
_CHUNK = _N // _NW
_SUB = 32768
_NSUB = _CHUNK // _SUB


def _val_vec(tv):
    x = 0.001571 * (tv - 500.0)
    u = x - (math.pi / 2.0)
    u2 = u * u
    c = 1.0 + u2 * (-1.0 / 2 + u2 * (1.0 / 24 + u2 * (-1.0 / 720 + u2 * (
        1.0 / 40320 + u2 * (-1.0 / 3628800 + u2 * (1.0 / 479001600))))))
    cond = (tv > 500.0) & (tv < 2502.54614894971)
    return 14.625 * jnp.where(cond, 0.01 * c, 0.0)


@functools.partial(
    pl.kernel,
    mesh=plsc.VectorSubcoreMesh(core_axis_name="c", subcore_axis_name="s"),
    out_type=jax.ShapeDtypeStruct((_N,), jnp.float32),
    scratch_types=[
        pltpu.VMEM((16,), jnp.float32),
        pltpu.VMEM((2, _SUB), jnp.float32),
        pltpu.SemaphoreType.DMA,
        pltpu.SemaphoreType.DMA,
    ],
)
def _sc_assign(t_hbm, w_hbm, out_hbm, tv_buf, stage, sem0, sem1):
    wid = lax.axis_index("s") * 2 + lax.axis_index("c")
    base = wid * _CHUNK
    sems = (sem0, sem1)

    copies = [None, None]
    copies[0] = pltpu.async_copy(w_hbm.at[pl.ds(base, _SUB)], stage.at[0], sems[0])
    for i in range(_NSUB):
        cur = i % 2
        copies[cur].wait()
        if i + 1 < _NSUB:
            nxt = (i + 1) % 2
            copies[nxt] = pltpu.async_copy(
                w_hbm.at[pl.ds(base + (i + 1) * _SUB, _SUB)], stage.at[nxt], sems[nxt])
        if i == 0:
            @pl.when(wid == 0)
            def _():
                tv_buf[...] = jnp.zeros((16,), jnp.float32)
                pltpu.sync_copy(t_hbm, tv_buf.at[pl.ds(0, 1)])
                val = _val_vec(tv_buf[...])
                lane = lax.iota(jnp.int32, 16)
                head = stage.at[0]
                head[pl.ds(0, 16)] = jnp.where(lane == 0, val, head[pl.ds(0, 16)])
        pltpu.sync_copy(stage.at[cur], out_hbm.at[pl.ds(base + i * _SUB, _SUB)])


def kernel(y, w, c, t):
    return _sc_assign(t.reshape(1), w)

# --- scband reference (transcript-rebuilt; emitter-appended) ---
"""Pipeline reference for scband-assignment-rule-57715770524002 (READ-ONLY COPY).

The authoritative reference and input builder live on the scoring server;
editing this copy changes nothing except your own understanding.
"""

import jax, jax.numpy as jnp
import numpy as np

def _piecewise(value, condition, default):
    # faithful replication of jaxfuncs.piecewise(value, cond, default)
    return jnp.where(condition, value, default)

def setup_inputs(seed: int = 0) -> dict:
    key = jax.random.key(seed)
    k1, k2, k3, k4 = jax.random.split(key, 4)
    y = jax.random.normal(k1, (8388608,), dtype=jnp.float32)
    w = jax.random.normal(k2, (8388608,), dtype=jnp.float32)
    c = jax.random.normal(k3, (64,), dtype=jnp.float32)
    t = jax.random.uniform(k4, (1,), dtype=jnp.float32)[0]
    return {"y": y, "w": w, "c": c, "t": t}

def reference(y, w, c, t):
    val = 14.625 * _piecewise(
        0.01 * jnp.sin(0.001571 * (-500 + t)),
        (t > 500) & (t < 2502.54614894971),
        0.0,
    )
    w = w.at[0].set(val)
    return w

if __name__ == "__main__":
    import jax
    _d = setup_inputs()
    print(jax.jit(kernel)(*tuple(_d.values())))

</pallas_src>

<mosaic_0001>
#map = affine_map<(d0, d1) -> (0)>
module attributes {stable_mosaic.version = 14 : i64} {
  func.func @_sc_assign(%arg0: i32, %arg1: i32, %arg2: memref<1xf32, #tpu.memory_space<hbm>>, %arg3: memref<8388608xf32, #tpu.memory_space<hbm>>, %arg4: memref<8388608xf32, #tpu.memory_space<hbm>>, %arg5: memref<16xf32, #tpu.memory_space<vmem>>, %arg6: memref<2x32768xf32, #tpu.memory_space<vmem>>, %arg7: memref<!tpu.dma_semaphore, #tpu.memory_space<semaphore_mem>>, %arg8: memref<!tpu.dma_semaphore, #tpu.memory_space<semaphore_mem>>) attributes {dimension_semantics = [#tpu.dimension_semantics<core_parallel>, #tpu.dimension_semantics<subcore_parallel>], iteration_bounds = array<i64: 2, 16>, scalar_prefetch = 0 : i64, scratch_operands = 4 : i64, tpu.core_type = #tpu.core_type<sc_vector_subcore>, window_params = [{transform_indices = #map}, {transform_indices = #map}, {transform_indices = #map}]} {
    %mul3A = arith.constant 2 : i32
    %mul3A_0 = arith.muli %arg1, %mul3A : i32
    %add3A = arith.addi %mul3A_0, %arg0 : i32
    %mul3A_1 = arith.constant 262144 : i32
    %mul3A_2 = arith.muli %add3A, %mul3A_1 : i32
    %dma_start3A = arith.constant 0 : i32
    %dma_start3A_3 = arith.constant 0 : i32
    %dma_start3A_4 = tpu.memref_slice %arg6[%dma_start3A, %dma_start3A_3] : memref<2x32768xf32, #tpu.memory_space<vmem>> -> memref<1x32768xf32, #tpu.memory_space<vmem>>
    %dma_start3A_5 = tpu.memref_squeeze %dma_start3A_4 : memref<1x32768xf32, #tpu.memory_space<vmem>> -> memref<32768xf32, #tpu.memory_space<vmem>>
    %dma_start3A_6 = tpu.memref_slice %arg3[%mul3A_2] : memref<8388608xf32, #tpu.memory_space<hbm>> -> memref<32768xf32, #tpu.memory_space<hbm>>
    %dma_start3A_7 = arith.constant 0 : i32
    %dma_start3A_8 = tpu.memref_slice %arg6[%dma_start3A, %dma_start3A_7] : memref<2x32768xf32, #tpu.memory_space<vmem>> -> memref<1x32768xf32, #tpu.memory_space<vmem>>
    %dma_start3A_9 = tpu.memref_squeeze %dma_start3A_8 : memref<1x32768xf32, #tpu.memory_space<vmem>> -> memref<32768xf32, #tpu.memory_space<vmem>>
    %dma_start3A_10 = tpu.memref_slice %arg3[%mul3A_2] : memref<8388608xf32, #tpu.memory_space<hbm>> -> memref<32768xf32, #tpu.memory_space<hbm>>
    tpu.enqueue_dma source(%dma_start3A_10 : memref<32768xf32, #tpu.memory_space<hbm>>) target(%dma_start3A_9 : memref<32768xf32, #tpu.memory_space<vmem>>) target_semaphore(%arg7 : memref<!tpu.dma_semaphore, #tpu.memory_space<semaphore_mem>>)
    %dma_wait3A = arith.constant 0 : i32
    %dma_wait3A_11 = arith.constant 0 : i32
    %dma_wait3A_12 = tpu.memref_slice %arg6[%dma_wait3A, %dma_wait3A_11] : memref<2x32768xf32, #tpu.memory_space<vmem>> -> memref<1x32768xf32, #tpu.memory_space<vmem>>
    %dma_wait3A_13 = tpu.memref_squeeze %dma_wait3A_12 : memref<1x32768xf32, #tpu.memory_space<vmem>> -> memref<32768xf32, #tpu.memory_space<vmem>>
    %dma_wait3A_14 = tpu.memref_slice %arg3[%mul3A_2] : memref<8388608xf32, #tpu.memory_space<hbm>> -> memref<32768xf32, #tpu.memory_space<hbm>>
    %dma_wait3A_15 = arith.constant 0 : i32
    %dma_wait3A_16 = tpu.memref_slice %arg6[%dma_wait3A, %dma_wait3A_15] : memref<2x32768xf32, #tpu.memory_space<vmem>> -> memref<1x32768xf32, #tpu.memory_space<vmem>>
    %dma_wait3A_17 = tpu.memref_squeeze %dma_wait3A_16 : memref<1x32768xf32, #tpu.memory_space<vmem>> -> memref<32768xf32, #tpu.memory_space<vmem>>
    %dma_wait3A_18 = tpu.memref_slice %arg3[%mul3A_2] : memref<8388608xf32, #tpu.memory_space<hbm>> -> memref<32768xf32, #tpu.memory_space<hbm>>
    tpu.wait_dma2 semaphore(%arg7 : memref<!tpu.dma_semaphore, #tpu.memory_space<semaphore_mem>>) src(%dma_wait3A_18 : memref<32768xf32, #tpu.memory_space<hbm>>) dst(%dma_wait3A_17 : memref<32768xf32, #tpu.memory_space<vmem>>)
    %add3A_19 = arith.constant 32768 : i32
    %add3A_20 = arith.addi %mul3A_2, %add3A_19 : i32
    %dma_start3A_21 = arith.constant 1 : i32
    %dma_start3A_22 = arith.constant 0 : i32
    %dma_start3A_23 = tpu.memref_slice %arg6[%dma_start3A_21, %dma_start3A_22] : memref<2x32768xf32, #tpu.memory_space<vmem>> -> memref<1x32768xf32, #tpu.memory_space<vmem>>
    %dma_start3A_24 = tpu.memref_squeeze %dma_start3A_23 : memref<1x32768xf32, #tpu.memory_space<vmem>> -> memref<32768xf32, #tpu.memory_space<vmem>>
    %dma_start3A_25 = tpu.memref_slice %arg3[%add3A_20] : memref<8388608xf32, #tpu.memory_space<hbm>> -> memref<32768xf32, #tpu.memory_space<hbm>>
    %dma_start3A_26 = arith.constant 0 : i32
    %dma_start3A_27 = tpu.memref_slice %arg6[%dma_start3A_21, %dma_start3A_26] : memref<2x32768xf32, #tpu.memory_space<vmem>> -> memref<1x32768xf32, #tpu.memory_space<vmem>>
    %dma_start3A_28 = tpu.memref_squeeze %dma_start3A_27 : memref<1x32768xf32, #tpu.memory_space<vmem>> -> memref<32768xf32, #tpu.memory_space<vmem>>
    %dma_start3A_29 = tpu.memref_slice %arg3[%add3A_20] : memref<8388608xf32, #tpu.memory_space<hbm>> -> memref<32768xf32, #tpu.memory_space<hbm>>
    tpu.enqueue_dma source(%dma_start3A_29 : memref<32768xf32, #tpu.memory_space<hbm>>) target(%dma_start3A_28 : memref<32768xf32, #tpu.memory_space<vmem>>) target_semaphore(%arg8 : memref<!tpu.dma_semaphore, #tpu.memory_space<semaphore_mem>>)
    %eq3A = arith.constant 0 : i32
    %eq3A_30 = arith.cmpi eq, %add3A, %eq3A : i32
    %convert_element_type3A = arith.extui %eq3A_30 : i1 to i32
    %cond3A = arith.constant 0 : i32
    %cond3A_31 = arith.cmpi ne, %convert_element_type3A, %cond3A : i32
    scf.if %cond3A_31 {
      %broadcast_in_dim3A = arith.constant 0.000000e+00 : f32
      %broadcast_in_dim3A_184 = vector.broadcast %broadcast_in_dim3A : f32 to vector<16xf32>
      %swap3A = arith.constant 0 : index
      %swap3A_185 = tpu.vector_load %arg5[%swap3A] {strides = array<i32>} : memref<16xf32, #tpu.memory_space<vmem>>, vector<16xf32>,
      %swap3A_186 = vector.shape_cast %swap3A_185 : vector<16xf32> to vector<16xf32>
      %swap3A_187 = vector.shape_cast %broadcast_in_dim3A_184 : vector<16xf32> to vector<16xf32>
      tpu.vector_store %arg5[%swap3A], %swap3A_187 {strides = array<i32>} : memref<16xf32, #tpu.memory_space<vmem>>, vector<16xf32>,
      "tpu.region"() ({
        %run_scoped3A_255 = tpu.sem_alloc : memref<!tpu.dma_semaphore, #tpu.memory_space<semaphore_mem>>
        %dma_start3A_256 = arith.constant 0 : i32
        %dma_start3A_257 = tpu.memref_slice %arg5[%dma_start3A_256] : memref<16xf32, #tpu.memory_space<vmem>> -> memref<1xf32, #tpu.memory_space<vmem>>
        %dma_start3A_258 = arith.constant 0 : i32
        %dma_start3A_259 = tpu.memref_slice %arg5[%dma_start3A_258] : memref<16xf32, #tpu.memory_space<vmem>> -> memref<1xf32, #tpu.memory_space<vmem>>
        tpu.enqueue_dma source(%arg2 : memref<1xf32, #tpu.memory_space<hbm>>) target(%dma_start3A_259 : memref<1xf32, #tpu.memory_space<vmem>>) target_semaphore(%run_scoped3A_255 : memref<!tpu.dma_semaphore, #tpu.memory_space<semaphore_mem>>)
        %dma_wait3A_260 = arith.constant 0 : i32
        %dma_wait3A_261 = tpu.memref_slice %arg5[%dma_wait3A_260] : memref<16xf32, #tpu.memory_space<vmem>> -> memref<1xf32, #tpu.memory_space<vmem>>
        %dma_wait3A_262 = arith.constant 0 : i32
        %dma_wait3A_263 = tpu.memref_slice %arg5[%dma_wait3A_262] : memref<16xf32, #tpu.memory_space<vmem>> -> memref<1xf32, #tpu.memory_space<vmem>>
        tpu.wait_dma2 semaphore(%run_scoped3A_255 : memref<!tpu.dma_semaphore, #tpu.memory_space<semaphore_mem>>) src(%arg2 : memref<1xf32, #tpu.memory_space<hbm>>) dst(%dma_wait3A_263 : memref<1xf32, #tpu.memory_space<vmem>>)
        tpu.yield
      }) : () -> ()
      %get3A = arith.constant 0 : index
      %get3A_188 = tpu.vector_load %arg5[%get3A] {strides = array<i32>} : memref<16xf32, #tpu.memory_space<vmem>>, vector<16xf32>,
      %get3A_189 = vector.shape_cast %get3A_188 : vector<16xf32> to vector<16xf32>
      %sub3A = arith.constant 5.000000e+02 : f32
      %sub3A_190 = vector.broadcast %sub3A : f32 to vector<16xf32>
      %sub3A_191 = arith.subf %get3A_189, %sub3A_190 : vector<16xf32>
      %mul3A_192 = arith.constant 1.571000e-03 : f32
      %mul3A_193 = vector.broadcast %mul3A_192 : f32 to vector<16xf32>
      %mul3A_194 = arith.mulf %mul3A_193, %sub3A_191 : vector<16xf32>
      %sub3A_195 = arith.constant 1.57079637 : f32
      %sub3A_196 = vector.broadcast %sub3A_195 : f32 to vector<16xf32>
      %sub3A_197 = arith.subf %mul3A_194, %sub3A_196 : vector<16xf32>
      %mul3A_198 = arith.mulf %sub3A_197, %sub3A_197 : vector<16xf32>
      %mul3A_199 = arith.constant 2.08767559E-9 : f32
      %mul3A_200 = vector.broadcast %mul3A_199 : f32 to vector<16xf32>
      %mul3A_201 = arith.mulf %mul3A_198, %mul3A_200 : vector<16xf32>
      %add3A_202 = arith.constant -2.755732E-7 : f32
      %add3A_203 = vector.broadcast %add3A_202 : f32 to vector<16xf32>
      %add3A_204 = arith.addf %add3A_203, %mul3A_201 : vector<16xf32>
      %mul3A_205 = arith.mulf %mul3A_198, %add3A_204 : vector<16xf32>
      %add3A_206 = arith.constant 2.48015876E-5 : f32
      %add3A_207 = vector.broadcast %add3A_206 : f32 to vector<16xf32>
      %add3A_208 = arith.addf %add3A_207, %mul3A_205 : vector<16xf32>
      %mul3A_209 = arith.mulf %mul3A_198, %add3A_208 : vector<16xf32>
      %add3A_210 = arith.constant -0.00138888892 : f32
      %add3A_211 = vector.broadcast %add3A_210 : f32 to vector<16xf32>
      %add3A_212 = arith.addf %add3A_211, %mul3A_209 : vector<16xf32>
      %mul3A_213 = arith.mulf %mul3A_198, %add3A_212 : vector<16xf32>
      %add3A_214 = arith.constant 0.0416666679 : f32
      %add3A_215 = vector.broadcast %add3A_214 : f32 to vector<16xf32>
      %add3A_216 = arith.addf %add3A_215, %mul3A_213 : vector<16xf32>
      %mul3A_217 = arith.mulf %mul3A_198, %add3A_216 : vector<16xf32>
      %add3A_218 = arith.constant -5.000000e-01 : f32
      %add3A_219 = vector.broadcast %add3A_218 : f32 to vector<16xf32>
      %add3A_220 = arith.addf %add3A_219, %mul3A_217 : vector<16xf32>
      %mul3A_221 = arith.mulf %mul3A_198, %add3A_220 : vector<16xf32>
      %add3A_222 = arith.constant 1.000000e+00 : f32
      %add3A_223 = vector.broadcast %add3A_222 : f32 to vector<16xf32>
      %add3A_224 = arith.addf %add3A_223, %mul3A_221 : vector<16xf32>
      %gt3A = arith.constant 5.000000e+02 : f32
      %gt3A_225 = vector.broadcast %gt3A : f32 to vector<16xf32>
      %gt3A_226 = arith.cmpf ogt, %get3A_189, %gt3A_225 : vector<16xf32>
      %lt3A = arith.constant 2502.54614 : f32
      %lt3A_227 = vector.broadcast %lt3A : f32 to vector<16xf32>
      %lt3A_228 = arith.cmpf olt, %get3A_189, %lt3A_227 : vector<16xf32>
      %and3A = arith.andi %gt3A_226, %lt3A_228 : vector<16xi1>
      %mul3A_229 = arith.constant 0.00999999977 : f32
      %mul3A_230 = vector.broadcast %mul3A_229 : f32 to vector<16xf32>
      %mul3A_231 = arith.mulf %mul3A_230, %add3A_224 : vector<16xf32>
      %jit3A = arith.constant 0.000000e+00 : f32
      %broadcast_in_dim3A_232 = vector.broadcast %jit3A : f32 to vector<16xf32>
      %select_n3A = arith.select %and3A, %mul3A_231, %broadcast_in_dim3A_232 : vector<16xi1>, vector<16xf32>
      %mul3A_233 = arith.constant 1.462500e+01 : f32
      %mul3A_234 = vector.broadcast %mul3A_233 : f32 to vector<16xf32>
      %mul3A_235 = arith.mulf %mul3A_234, %select_n3A : vector<16xf32>
      %iota3A = tpu.iota {dimensions = array<i32: 0>} : vector<16xi32>
      %eq3A_236 = arith.constant 0 : i32
      %eq3A_237 = vector.broadcast %eq3A_236 : i32 to vector<16xi32>
      %eq3A_238 = arith.cmpi eq, %iota3A, %eq3A_237 : vector<16xi32>
      %get3A_239 = arith.constant 0 : i32
      %get3A_240 = arith.constant 0 : i32
      %get3A_241 = tpu.memref_slice %arg6[%get3A_239, %get3A_240] : memref<2x32768xf32, #tpu.memory_space<vmem>> -> memref<1x32768xf32, #tpu.memory_space<vmem>>
      %get3A_242 = tpu.memref_squeeze %get3A_241 : memref<1x32768xf32, #tpu.memory_space<vmem>> -> memref<32768xf32, #tpu.memory_space<vmem>>
      %get3A_243 = arith.constant 0 : index
      %get3A_244 = tpu.vector_load %get3A_242[%get3A_243] {strides = array<i32>} : memref<32768xf32, #tpu.memory_space<vmem>>, vector<16xf32>,
      %get3A_245 = vector.shape_cast %get3A_244 : vector<16xf32> to vector<16xf32>
      %select_n3A_246 = arith.select %eq3A_238, %mul3A_235, %get3A_245 : vector<16xi1>, vector<16xf32>
      %swap3A_247 = arith.constant 0 : i32
      %swap3A_248 = arith.constant 0 : i32
      %swap3A_249 = tpu.memref_slice %arg6[%swap3A_247, %swap3A_248] : memref<2x32768xf32, #tpu.memory_space<vmem>> -> memref<1x32768xf32, #tpu.memory_space<vmem>>
      %swap3A_250 = tpu.memref_squeeze %swap3A_249 : memref<1x32768xf32, #tpu.memory_space<vmem>> -> memref<32768xf32, #tpu.memory_space<vmem>>
      %swap3A_251 = arith.constant 0 : index
      %swap3A_252 = tpu.vector_load %swap3A_250[%swap3A_251] {strides = array<i32>} : memref<32768xf32, #tpu.memory_space<vmem>>, vector<16xf32>,
      %swap3A_253 = vector.shape_cast %swap3A_252 : vector<16xf32> to vector<16xf32>
      %swap3A_254 = vector.shape_cast %select_n3A_246 : vector<16xf32> to vector<16xf32>
      tpu.vector_store %swap3A_250[%swap3A_251], %swap3A_254 {strides = array<i32>} : memref<32768xf32, #tpu.memory_space<vmem>>, vector<16xf32>,
    } else {
    }
    %add3A_32 = arith.constant 0 : i32
    %add3A_33 = arith.addi %mul3A_2, %add3A_32 : i32
    %run_scoped3A = arith.constant 0 : i32
    "tpu.region"() ({
      %run_scoped3A_184 = tpu.sem_alloc : memref<!tpu.dma_semaphore, #tpu.memory_space<semaphore_mem>>
      %dma_start3A_185 = arith.constant 0 : i32
      %dma_start3A_186 = tpu.memref_slice %arg6[%run_scoped3A, %dma_start3A_185] : memref<2x32768xf32, #tpu.memory_space<vmem>> -> memref<1x32768xf32, #tpu.memory_space<vmem>>
      %dma_start3A_187 = tpu.memref_squeeze %dma_start3A_186 : memref<1x32768xf32, #tpu.memory_space<vmem>> -> memref<32768xf32, #tpu.memory_space<vmem>>
      %dma_start3A_188 = tpu.memref_slice %arg4[%add3A_33] : memref<8388608xf32, #tpu.memory_space<hbm>> -> memref<32768xf32, #tpu.memory_space<hbm>>
      %dma_start3A_189 = tpu.memref_slice %arg4[%add3A_33] : memref<8388608xf32, #tpu.memory_space<hbm>> -> memref<32768xf32, #tpu.memory_space<hbm>>
      %dma_start3A_190 = arith.constant 0 : i32
      %dma_start3A_191 = tpu.memref_slice %arg6[%run_scoped3A, %dma_start3A_190] : memref<2x32768xf32, #tpu.memory_space<vmem>> -> memref<1x32768xf32, #tpu.memory_space<vmem>>
      %dma_start3A_192 = tpu.memref_squeeze %dma_start3A_191 : memref<1x32768xf32, #tpu.memory_space<vmem>> -> memref<32768xf32, #tpu.memory_space<vmem>>
      tpu.enqueue_dma source(%dma_start3A_192 : memref<32768xf32, #tpu.memory_space<vmem>>) target(%dma_start3A_189 : memref<32768xf32, #tpu.memory_space<hbm>>) target_semaphore(%run_scoped3A_184 : memref<!tpu.dma_semaphore, #tpu.memory_space<semaphore_mem>>)
      %dma_wait3A_193 = arith.constant 0 : i32
      %dma_wait3A_194 = tpu.memref_slice %arg6[%run_scoped3A, %dma_wait3A_193] : memref<2x32768xf32, #tpu.memory_space<vmem>> -> memref<1x32768xf32, #tpu.memory_space<vmem>>
      %dma_wait3A_195 = tpu.memref_squeeze %dma_wait3A_194 : memref<1x32768xf32, #tpu.memory_space<vmem>> -> memref<32768xf32, #tpu.memory_space<vmem>>
      %dma_wait3A_196 = tpu.memref_slice %arg4[%add3A_33] : memref<8388608xf32, #tpu.memory_space<hbm>> -> memref<32768xf32, #tpu.memory_space<hbm>>
      %dma_wait3A_197 = tpu.memref_slice %arg4[%add3A_33] : memref<8388608xf32, #tpu.memory_space<hbm>> -> memref<32768xf32, #tpu.memory_space<hbm>>
      %dma_wait3A_198 = arith.constant 0 : i32
      %dma_wait3A_199 = tpu.memref_slice %arg6[%run_scoped3A, %dma_wait3A_198] : memref<2x32768xf32, #tpu.memory_space<vmem>> -> memref<1x32768xf32, #tpu.memory_space<vmem>>
      %dma_wait3A_200 = tpu.memref_squeeze %dma_wait3A_199 : memref<1x32768xf32, #tpu.memory_space<vmem>> -> memref<32768xf32, #tpu.memory_space<vmem>>
      tpu.wait_dma2 semaphore(%run_scoped3A_184 : memref<!tpu.dma_semaphore, #tpu.memory_space<semaphore_mem>>) src(%dma_wait3A_200 : memref<32768xf32, #tpu.memory_space<vmem>>) dst(%dma_wait3A_197 : memref<32768xf32, #tpu.memory_space<hbm>>)
      tpu.yield
    }) : () -> ()
    %dma_wait3A_34 = arith.constant 1 : i32
    %dma_wait3A_35 = arith.constant 0 : i32
    %dma_wait3A_36 = tpu.memref_slice %arg6[%dma_wait3A_34, %dma_wait3A_35] : memref<2x32768xf32, #tpu.memory_space<vmem>> -> memref<1x32768xf32, #tpu.memory_space<vmem>>
    %dma_wait3A_37 = tpu.memref_squeeze %dma_wait3A_36 : memref<1x32768xf32, #tpu.memory_space<vmem>> -> memref<32768xf32, #tpu.memory_space<vmem>>
    %dma_wait3A_38 = tpu.memref_slice %arg3[%add3A_20] : memref<8388608xf32, #tpu.memory_space<hbm>> -> memref<32768xf32, #tpu.memory_space<hbm>>
    %dma_wait3A_39 = arith.constant 0 : i32
    %dma_wait3A_40 = tpu.memref_slice %arg6[%dma_wait3A_34, %dma_wait3A_39] : memref<2x32768xf32, #tpu.memory_space<vmem>> -> memref<1x32768xf32, #tpu.memory_space<vmem>>
    %dma_wait3A_41 = tpu.memref_squeeze %dma_wait3A_40 : memref<1x32768xf32, #tpu.memory_space<vmem>> -> memref<32768xf32, #tpu.memory_space<vmem>>
    %dma_wait3A_42 = tpu.memref_slice %arg3[%add3A_20] : memref<8388608xf32, #tpu.memory_space<hbm>> -> memref<32768xf32, #tpu.memory_space<hbm>>
    tpu.wait_dma2 semaphore(%arg8 : memref<!tpu.dma_semaphore, #tpu.memory_space<semaphore_mem>>) src(%dma_wait3A_42 : memref<32768xf32, #tpu.memory_space<hbm>>) dst(%dma_wait3A_41 : memref<32768xf32, #tpu.memory_space<vmem>>)
    %add3A_43 = arith.constant 65536 : i32
    %add3A_44 = arith.addi %mul3A_2, %add3A_43 : i32
    %dma_start3A_45 = arith.constant 0 : i32
    %dma_start3A_46 = arith.constant 0 : i32
    %dma_start3A_47 = tpu.memref_slice %arg6[%dma_start3A_45, %dma_start3A_46] : memref<2x32768xf32, #tpu.memory_space<vmem>> -> memref<1x32768xf32, #tpu.memory_space<vmem>>
    %dma_start3A_48 = tpu.memref_squeeze %dma_start3A_47 : memref<1x32768xf32, #tpu.memory_space<vmem>> -> memref<32768xf32, #tpu.memory_space<vmem>>
    %dma_start3A_49 = tpu.memref_slice %arg3[%add3A_44] : memref<8388608xf32, #tpu.memory_space<hbm>> -> memref<32768xf32, #tpu.memory_space<hbm>>
    %dma_start3A_50 = arith.constant 0 : i32
    %dma_start3A_51 = tpu.memref_slice %arg6[%dma_start3A_45, %dma_start3A_50] : memref<2x32768xf32, #tpu.memory_space<vmem>> -> memref<1x32768xf32, #tpu.memory_space<vmem>>
    %dma_start3A_52 = tpu.memref_squeeze %dma_start3A_51 : memref<1x32768xf32, #tpu.memory_space<vmem>> -> memref<32768xf32, #tpu.memory_space<vmem>>
    %dma_start3A_53 = tpu.memref_slice %arg3[%add3A_44] : memref<8388608xf32, #tpu.memory_space<hbm>> -> memref<32768xf32, #tpu.memory_space<hbm>>
    tpu.enqueue_dma source(%dma_start3A_53 : memref<32768xf32, #tpu.memory_space<hbm>>) target(%dma_start3A_52 : memref<32768xf32, #tpu.memory_space<vmem>>) target_semaphore(%arg7 : memref<!tpu.dma_semaphore, #tpu.memory_space<semaphore_mem>>)
    %add3A_54 = arith.constant 32768 : i32
    %add3A_55 = arith.addi %mul3A_2, %add3A_54 : i32
    %run_scoped3A_56 = arith.constant 1 : i32
    "tpu.region"() ({
      %run_scoped3A_184 = tpu.sem_alloc : memref<!tpu.dma_semaphore, #tpu.memory_space<semaphore_mem>>
      %dma_start3A_185 = arith.constant 0 : i32
      %dma_start3A_186 = tpu.memref_slice %arg6[%run_scoped3A_56, %dma_start3A_185] : memref<2x32768xf32, #tpu.memory_space<vmem>> -> memref<1x32768xf32, #tpu.memory_space<vmem>>
      %dma_start3A_187 = tpu.memref_squeeze %dma_start3A_186 : memref<1x32768xf32, #tpu.memory_space<vmem>> -> memref<32768xf32, #tpu.memory_space<vmem>>
      %dma_start3A_188 = tpu.memref_slice %arg4[%add3A_55] : memref<8388608xf32, #tpu.memory_space<hbm>> -> memref<32768xf32, #tpu.memory_space<hbm>>
      %dma_start3A_189 = tpu.memref_slice %arg4[%add3A_55] : memref<8388608xf32, #tpu.memory_space<hbm>> -> memref<32768xf32, #tpu.memory_space<hbm>>
      %dma_start3A_190 = arith.constant 0 : i32
      %dma_start3A_191 = tpu.memref_slice %arg6[%run_scoped3A_56, %dma_start3A_190] : memref<2x32768xf32, #tpu.memory_space<vmem>> -> memref<1x32768xf32, #tpu.memory_space<vmem>>
      %dma_start3A_192 = tpu.memref_squeeze %dma_start3A_191 : memref<1x32768xf32, #tpu.memory_space<vmem>> -> memref<32768xf32, #tpu.memory_space<vmem>>
      tpu.enqueue_dma source(%dma_start3A_192 : memref<32768xf32, #tpu.memory_space<vmem>>) target(%dma_start3A_189 : memref<32768xf32, #tpu.memory_space<hbm>>) target_semaphore(%run_scoped3A_184 : memref<!tpu.dma_semaphore, #tpu.memory_space<semaphore_mem>>)
      %dma_wait3A_193 = arith.constant 0 : i32
      %dma_wait3A_194 = tpu.memref_slice %arg6[%run_scoped3A_56, %dma_wait3A_193] : memref<2x32768xf32, #tpu.memory_space<vmem>> -> memref<1x32768xf32, #tpu.memory_space<vmem>>
      %dma_wait3A_195 = tpu.memref_squeeze %dma_wait3A_194 : memref<1x32768xf32, #tpu.memory_space<vmem>> -> memref<32768xf32, #tpu.memory_space<vmem>>
      %dma_wait3A_196 = tpu.memref_slice %arg4[%add3A_55] : memref<8388608xf32, #tpu.memory_space<hbm>> -> memref<32768xf32, #tpu.memory_space<hbm>>
      %dma_wait3A_197 = tpu.memref_slice %arg4[%add3A_55] : memref<8388608xf32, #tpu.memory_space<hbm>> -> memref<32768xf32, #tpu.memory_space<hbm>>
      %dma_wait3A_198 = arith.constant 0 : i32
      %dma_wait3A_199 = tpu.memref_slice %arg6[%run_scoped3A_56, %dma_wait3A_198] : memref<2x32768xf32, #tpu.memory_space<vmem>> -> memref<1x32768xf32, #tpu.memory_space<vmem>>
      %dma_wait3A_200 = tpu.memref_squeeze %dma_wait3A_199 : memref<1x32768xf32, #tpu.memory_space<vmem>> -> memref<32768xf32, #tpu.memory_space<vmem>>
      tpu.wait_dma2 semaphore(%run_scoped3A_184 : memref<!tpu.dma_semaphore, #tpu.memory_space<semaphore_mem>>) src(%dma_wait3A_200 : memref<32768xf32, #tpu.memory_space<vmem>>) dst(%dma_wait3A_197 : memref<32768xf32, #tpu.memory_space<hbm>>)
      tpu.yield
    }) : () -> ()
    %dma_wait3A_57 = arith.constant 0 : i32
    %dma_wait3A_58 = arith.constant 0 : i32
    %dma_wait3A_59 = tpu.memref_slice %arg6[%dma_wait3A_57, %dma_wait3A_58] : memref<2x32768xf32, #tpu.memory_space<vmem>> -> memref<1x32768xf32, #tpu.memory_space<vmem>>
    %dma_wait3A_60 = tpu.memref_squeeze %dma_wait3A_59 : memref<1x32768xf32, #tpu.memory_space<vmem>> -> memref<32768xf32, #tpu.memory_space<vmem>>
    %dma_wait3A_61 = tpu.memref_slice %arg3[%add3A_44] : memref<8388608xf32, #tpu.memory_space<hbm>> -> memref<32768xf32, #tpu.memory_space<hbm>>
    %dma_wait3A_62 = arith.constant 0 : i32
    %dma_wait3A_63 = tpu.memref_slice %arg6[%dma_wait3A_57, %dma_wait3A_62] : memref<2x32768xf32, #tpu.memory_space<vmem>> -> memref<1x32768xf32, #tpu.memory_space<vmem>>
    %dma_wait3A_64 = tpu.memref_squeeze %dma_wait3A_63 : memref<1x32768xf32, #tpu.memory_space<vmem>> -> memref<32768xf32, #tpu.memory_space<vmem>>
    %dma_wait3A_65 = tpu.memref_slice %arg3[%add3A_44] : memref<8388608xf32, #tpu.memory_space<hbm>> -> memref<32768xf32, #tpu.memory_space<hbm>>
    tpu.wait_dma2 semaphore(%arg7 : memref<!tpu.dma_semaphore, #tpu.memory_space<semaphore_mem>>) src(%dma_wait3A_65 : memref<32768xf32, #tpu.memory_space<hbm>>) dst(%dma_wait3A_64 : memref<32768xf32, #tpu.memory_space<vmem>>)
    %add3A_66 = arith.constant 98304 : i32
    %add3A_67 = arith.addi %mul3A_2, %add3A_66 : i32
    %dma_start3A_68 = arith.constant 1 : i32
    %dma_start3A_69 = arith.constant 0 : i32
    %dma_start3A_70 = tpu.memref_slice %arg6[%dma_start3A_68, %dma_start3A_69] : memref<2x32768xf32, #tpu.memory_space<vmem>> -> memref<1x32768xf32, #tpu.memory_space<vmem>>
    %dma_start3A_71 = tpu.memref_squeeze %dma_start3A_70 : memref<1x32768xf32, #tpu.memory_space<vmem>> -> memref<32768xf32, #tpu.memory_space<vmem>>
    %dma_start3A_72 = tpu.memref_slice %arg3[%add3A_67] : memref<8388608xf32, #tpu.memory_space<hbm>> -> memref<32768xf32, #tpu.memory_space<hbm>>
    %dma_start3A_73 = arith.constant 0 : i32
    %dma_start3A_74 = tpu.memref_slice %arg6[%dma_start3A_68, %dma_start3A_73] : memref<2x32768xf32, #tpu.memory_space<vmem>> -> memref<1x32768xf32, #tpu.memory_space<vmem>>
    %dma_start3A_75 = tpu.memref_squeeze %dma_start3A_74 : memref<1x32768xf32, #tpu.memory_space<vmem>> -> memref<32768xf32, #tpu.memory_space<vmem>>
    %dma_start3A_76 = tpu.memref_slice %arg3[%add3A_67] : memref<8388608xf32, #tpu.memory_space<hbm>> -> memref<32768xf32, #tpu.memory_space<hbm>>
    tpu.enqueue_dma source(%dma_start3A_76 : memref<32768xf32, #tpu.memory_space<hbm>>) target(%dma_start3A_75 : memref<32768xf32, #tpu.memory_space<vmem>>) target_semaphore(%arg8 : memref<!tpu.dma_semaphore, #tpu.memory_space<semaphore_mem>>)
    %add3A_77 = arith.constant 65536 : i32
    %add3A_78 = arith.addi %mul3A_2, %add3A_77 : i32
    %run_scoped3A_79 = arith.constant 0 : i32
    "tpu.region"() ({
      %run_scoped3A_184 = tpu.sem_alloc : memref<!tpu.dma_semaphore, #tpu.memory_space<semaphore_mem>>
      %dma_start3A_185 = arith.constant 0 : i32
      %dma_start3A_186 = tpu.memref_slice %arg6[%run_scoped3A_79, %dma_start3A_185] : memref<2x32768xf32, #tpu.memory_space<vmem>> -> memref<1x32768xf32, #tpu.memory_space<vmem>>
      %dma_start3A_187 = tpu.memref_squeeze %dma_start3A_186 : memref<1x32768xf32, #tpu.memory_space<vmem>> -> memref<32768xf32, #tpu.memory_space<vmem>>
      %dma_start3A_188 = tpu.memref_slice %arg4[%add3A_78] : memref<8388608xf32, #tpu.memory_space<hbm>> -> memref<32768xf32, #tpu.memory_space<hbm>>
      %dma_start3A_189 = tpu.memref_slice %arg4[%add3A_78] : memref<8388608xf32, #tpu.memory_space<hbm>> -> memref<32768xf32, #tpu.memory_space<hbm>>
      %dma_start3A_190 = arith.constant 0 : i32
      %dma_start3A_191 = tpu.memref_slice %arg6[%run_scoped3A_79, %dma_start3A_190] : memref<2x32768xf32, #tpu.memory_space<vmem>> -> memref<1x32768xf32, #tpu.memory_space<vmem>>
      %dma_start3A_192 = tpu.memref_squeeze %dma_start3A_191 : memref<1x32768xf32, #tpu.memory_space<vmem>> -> memref<32768xf32, #tpu.memory_space<vmem>>
      tpu.enqueue_dma source(%dma_start3A_192 : memref<32768xf32, #tpu.memory_space<vmem>>) target(%dma_start3A_189 : memref<32768xf32, #tpu.memory_space<hbm>>) target_semaphore(%run_scoped3A_184 : memref<!tpu.dma_semaphore, #tpu.memory_space<semaphore_mem>>)
      %dma_wait3A_193 = arith.constant 0 : i32
      %dma_wait3A_194 = tpu.memref_slice %arg6[%run_scoped3A_79, %dma_wait3A_193] : memref<2x32768xf32, #tpu.memory_space<vmem>> -> memref<1x32768xf32, #tpu.memory_space<vmem>>
      %dma_wait3A_195 = tpu.memref_squeeze %dma_wait3A_194 : memref<1x32768xf32, #tpu.memory_space<vmem>> -> memref<32768xf32, #tpu.memory_space<vmem>>
      %dma_wait3A_196 = tpu.memref_slice %arg4[%add3A_78] : memref<8388608xf32, #tpu.memory_space<hbm>> -> memref<32768xf32, #tpu.memory_space<hbm>>
      %dma_wait3A_197 = tpu.memref_slice %arg4[%add3A_78] : memref<8388608xf32, #tpu.memory_space<hbm>> -> memref<32768xf32, #tpu.memory_space<hbm>>
      %dma_wait3A_198 = arith.constant 0 : i32
      %dma_wait3A_199 = tpu.memref_slice %arg6[%run_scoped3A_79, %dma_wait3A_198] : memref<2x32768xf32, #tpu.memory_space<vmem>> -> memref<1x32768xf32, #tpu.memory_space<vmem>>
      %dma_wait3A_200 = tpu.memref_squeeze %dma_wait3A_199 : memref<1x32768xf32, #tpu.memory_space<vmem>> -> memref<32768xf32, #tpu.memory_space<vmem>>
      tpu.wait_dma2 semaphore(%run_scoped3A_184 : memref<!tpu.dma_semaphore, #tpu.memory_space<semaphore_mem>>) src(%dma_wait3A_200 : memref<32768xf32, #tpu.memory_space<vmem>>) dst(%dma_wait3A_197 : memref<32768xf32, #tpu.memory_space<hbm>>)
      tpu.yield
    }) : () -> ()
    %dma_wait3A_80 = arith.constant 1 : i32
    %dma_wait3A_81 = arith.constant 0 : i32
    %dma_wait3A_82 = tpu.memref_slice %arg6[%dma_wait3A_80, %dma_wait3A_81] : memref<2x32768xf32, #tpu.memory_space<vmem>> -> memref<1x32768xf32, #tpu.memory_space<vmem>>
    %dma_wait3A_83 = tpu.memref_squeeze %dma_wait3A_82 : memref<1x32768xf32, #tpu.memory_space<vmem>> -> memref<32768xf32, #tpu.memory_space<vmem>>
    %dma_wait3A_84 = tpu.memref_slice %arg3[%add3A_67] : memref<8388608xf32, #tpu.memory_space<hbm>> -> memref<32768xf32, #tpu.memory_space<hbm>>
    %dma_wait3A_85 = arith.constant 0 : i32
    %dma_wait3A_86 = tpu.memref_slice %arg6[%dma_wait3A_80, %dma_wait3A_85] : memref<2x32768xf32, #tpu.memory_space<vmem>> -> memref<1x32768xf32, #tpu.memory_space<vmem>>
    %dma_wait3A_87 = tpu.memref_squeeze %dma_wait3A_86 : memref<1x32768xf32, #tpu.memory_space<vmem>> -> memref<32768xf32, #tpu.memory_space<vmem>>
    %dma_wait3A_88 = tpu.memref_slice %arg3[%add3A_67] : memref<8388608xf32, #tpu.memory_space<hbm>> -> memref<32768xf32, #tpu.memory_space<hbm>>
    tpu.wait_dma2 semaphore(%arg8 : memref<!tpu.dma_semaphore, #tpu.memory_space<semaphore_mem>>) src(%dma_wait3A_88 : memref<32768xf32, #tpu.memory_space<hbm>>) dst(%dma_wait3A_87 : memref<32768xf32, #tpu.memory_space<vmem>>)
    %add3A_89 = arith.constant 131072 : i32
    %add3A_90 = arith.addi %mul3A_2, %add3A_89 : i32
    %dma_start3A_91 = arith.constant 0 : i32
    %dma_start3A_92 = arith.constant 0 : i32
    %dma_start3A_93 = tpu.memref_slice %arg6[%dma_start3A_91, %dma_start3A_92] : memref<2x32768xf32, #tpu.memory_space<vmem>> -> memref<1x32768xf32, #tpu.memory_space<vmem>>
    %dma_start3A_94 = tpu.memref_squeeze %dma_start3A_93 : memref<1x32768xf32, #tpu.memory_space<vmem>> -> memref<32768xf32, #tpu.memory_space<vmem>>
    %dma_start3A_95 = tpu.memref_slice %arg3[%add3A_90] : memref<8388608xf32, #tpu.memory_space<hbm>> -> memref<32768xf32, #tpu.memory_space<hbm>>
    %dma_start3A_96 = arith.constant 0 : i32
    %dma_start3A_97 = tpu.memref_slice %arg6[%dma_start3A_91, %dma_start3A_96] : memref<2x32768xf32, #tpu.memory_space<vmem>> -> memref<1x32768xf32, #tpu.memory_space<vmem>>
    %dma_start3A_98 = tpu.memref_squeeze %dma_start3A_97 : memref<1x32768xf32, #tpu.memory_space<vmem>> -> memref<32768xf32, #tpu.memory_space<vmem>>
    %dma_start3A_99 = tpu.memref_slice %arg3[%add3A_90] : memref<8388608xf32, #tpu.memory_space<hbm>> -> memref<32768xf32, #tpu.memory_space<hbm>>
    tpu.enqueue_dma source(%dma_start3A_99 : memref<32768xf32, #tpu.memory_space<hbm>>) target(%dma_start3A_98 : memref<32768xf32, #tpu.memory_space<vmem>>) target_semaphore(%arg7 : memref<!tpu.dma_semaphore, #tpu.memory_space<semaphore_mem>>)
    %add3A_100 = arith.constant 98304 : i32
    %add3A_101 = arith.addi %mul3A_2, %add3A_100 : i32
    %run_scoped3A_102 = arith.constant 1 : i32
    "tpu.region"() ({
      %run_scoped3A_184 = tpu.sem_alloc : memref<!tpu.dma_semaphore, #tpu.memory_space<semaphore_mem>>
      %dma_start3A_185 = arith.constant 0 : i32
      %dma_start3A_186 = tpu.memref_slice %arg6[%run_scoped3A_102, %dma_start3A_185] : memref<2x32768xf32, #tpu.memory_space<vmem>> -> memref<1x32768xf32, #tpu.memory_space<vmem>>
      %dma_start3A_187 = tpu.memref_squeeze %dma_start3A_186 : memref<1x32768xf32, #tpu.memory_space<vmem>> -> memref<32768xf32, #tpu.memory_space<vmem>>
      %dma_start3A_188 = tpu.memref_slice %arg4[%add3A_101] : memref<8388608xf32, #tpu.memory_space<hbm>> -> memref<32768xf32, #tpu.memory_space<hbm>>
      %dma_start3A_189 = tpu.memref_slice %arg4[%add3A_101] : memref<8388608xf32, #tpu.memory_space<hbm>> -> memref<32768xf32, #tpu.memory_space<hbm>>
      %dma_start3A_190 = arith.constant 0 : i32
      %dma_start3A_191 = tpu.memref_slice %arg6[%run_scoped3A_102, %dma_start3A_190] : memref<2x32768xf32, #tpu.memory_space<vmem>> -> memref<1x32768xf32, #tpu.memory_space<vmem>>
      %dma_start3A_192 = tpu.memref_squeeze %dma_start3A_191 : memref<1x32768xf32, #tpu.memory_space<vmem>> -> memref<32768xf32, #tpu.memory_space<vmem>>
      tpu.enqueue_dma source(%dma_start3A_192 : memref<32768xf32, #tpu.memory_space<vmem>>) target(%dma_start3A_189 : memref<32768xf32, #tpu.memory_space<hbm>>) target_semaphore(%run_scoped3A_184 : memref<!tpu.dma_semaphore, #tpu.memory_space<semaphore_mem>>)
      %dma_wait3A_193 = arith.constant 0 : i32
      %dma_wait3A_194 = tpu.memref_slice %arg6[%run_scoped3A_102, %dma_wait3A_193] : memref<2x32768xf32, #tpu.memory_space<vmem>> -> memref<1x32768xf32, #tpu.memory_space<vmem>>
      %dma_wait3A_195 = tpu.memref_squeeze %dma_wait3A_194 : memref<1x32768xf32, #tpu.memory_space<vmem>> -> memref<32768xf32, #tpu.memory_space<vmem>>
      %dma_wait3A_196 = tpu.memref_slice %arg4[%add3A_101] : memref<8388608xf32, #tpu.memory_space<hbm>> -> memref<32768xf32, #tpu.memory_space<hbm>>
      %dma_wait3A_197 = tpu.memref_slice %arg4[%add3A_101] : memref<8388608xf32, #tpu.memory_space<hbm>> -> memref<32768xf32, #tpu.memory_space<hbm>>
      %dma_wait3A_198 = arith.constant 0 : i32
      %dma_wait3A_199 = tpu.memref_slice %arg6[%run_scoped3A_102, %dma_wait3A_198] : memref<2x32768xf32, #tpu.memory_space<vmem>> -> memref<1x32768xf32, #tpu.memory_space<vmem>>
      %dma_wait3A_200 = tpu.memref_squeeze %dma_wait3A_199 : memref<1x32768xf32, #tpu.memory_space<vmem>> -> memref<32768xf32, #tpu.memory_space<vmem>>
      tpu.wait_dma2 semaphore(%run_scoped3A_184 : memref<!tpu.dma_semaphore, #tpu.memory_space<semaphore_mem>>) src(%dma_wait3A_200 : memref<32768xf32, #tpu.memory_space<vmem>>) dst(%dma_wait3A_197 : memref<32768xf32, #tpu.memory_space<hbm>>)
      tpu.yield
    }) : () -> ()
    %dma_wait3A_103 = arith.constant 0 : i32
    %dma_wait3A_104 = arith.constant 0 : i32
    %dma_wait3A_105 = tpu.memref_slice %arg6[%dma_wait3A_103, %dma_wait3A_104] : memref<2x32768xf32, #tpu.memory_space<vmem>> -> memref<1x32768xf32, #tpu.memory_space<vmem>>
    %dma_wait3A_106 = tpu.memref_squeeze %dma_wait3A_105 : memref<1x32768xf32, #tpu.memory_space<vmem>> -> memref<32768xf32, #tpu.memory_space<vmem>>
    %dma_wait3A_107 = tpu.memref_slice %arg3[%add3A_90] : memref<8388608xf32, #tpu.memory_space<hbm>> -> memref<32768xf32, #tpu.memory_space<hbm>>
    %dma_wait3A_108 = arith.constant 0 : i32
    %dma_wait3A_109 = tpu.memref_slice %arg6[%dma_wait3A_103, %dma_wait3A_108] : memref<2x32768xf32, #tpu.memory_space<vmem>> -> memref<1x32768xf32, #tpu.memory_space<vmem>>
    %dma_wait3A_110 = tpu.memref_squeeze %dma_wait3A_109 : memref<1x32768xf32, #tpu.memory_space<vmem>> -> memref<32768xf32, #tpu.memory_space<vmem>>
    %dma_wait3A_111 = tpu.memref_slice %arg3[%add3A_90] : memref<8388608xf32, #tpu.memory_space<hbm>> -> memref<32768xf32, #tpu.memory_space<hbm>>
    tpu.wait_dma2 semaphore(%arg7 : memref<!tpu.dma_semaphore, #tpu.memory_space<semaphore_mem>>) src(%dma_wait3A_111 : memref<32768xf32, #tpu.memory_space<hbm>>) dst(%dma_wait3A_110 : memref<32768xf32, #tpu.memory_space<vmem>>)
    %add3A_112 = arith.constant 163840 : i32
    %add3A_113 = arith.addi %mul3A_2, %add3A_112 : i32
    %dma_start3A_114 = arith.constant 1 : i32
    %dma_start3A_115 = arith.constant 0 : i32
    %dma_start3A_116 = tpu.memref_slice %arg6[%dma_start3A_114, %dma_start3A_115] : memref<2x32768xf32, #tpu.memory_space<vmem>> -> memref<1x32768xf32, #tpu.memory_space<vmem>>
    %dma_start3A_117 = tpu.memref_squeeze %dma_start3A_116 : memref<1x32768xf32, #tpu.memory_space<vmem>> -> memref<32768xf32, #tpu.memory_space<vmem>>
    %dma_start3A_118 = tpu.memref_slice %arg3[%add3A_113] : memref<8388608xf32, #tpu.memory_space<hbm>> -> memref<32768xf32, #tpu.memory_space<hbm>>
    %dma_start3A_119 = arith.constant 0 : i32
    %dma_start3A_120 = tpu.memref_slice %arg6[%dma_start3A_114, %dma_start3A_119] : memref<2x32768xf32, #tpu.memory_space<vmem>> -> memref<1x32768xf32, #tpu.memory_space<vmem>>
    %dma_start3A_121 = tpu.memref_squeeze %dma_start3A_120 : memref<1x32768xf32, #tpu.memory_space<vmem>> -> memref<32768xf32, #tpu.memory_space<vmem>>
    %dma_start3A_122 = tpu.memref_slice %arg3[%add3A_113] : memref<8388608xf32, #tpu.memory_space<hbm>> -> memref<32768xf32, #tpu.memory_space<hbm>>
    tpu.enqueue_dma source(%dma_start3A_122 : memref<32768xf32, #tpu.memory_space<hbm>>) target(%dma_start3A_121 : memref<32768xf32, #tpu.memory_space<vmem>>) target_semaphore(%arg8 : memref<!tpu.dma_semaphore, #tpu.memory_space<semaphore_mem>>)
    %add3A_123 = arith.constant 131072 : i32
    %add3A_124 = arith.addi %mul3A_2, %add3A_123 : i32
    %run_scoped3A_125 = arith.constant 0 : i32
    "tpu.region"() ({
      %run_scoped3A_184 = tpu.sem_alloc : memref<!tpu.dma_semaphore, #tpu.memory_space<semaphore_mem>>
      %dma_start3A_185 = arith.constant 0 : i32
      %dma_start3A_186 = tpu.memref_slice %arg6[%run_scoped3A_125, %dma_start3A_185] : memref<2x32768xf32, #tpu.memory_space<vmem>> -> memref<1x32768xf32, #tpu.memory_space<vmem>>
      %dma_start3A_187 = tpu.memref_squeeze %dma_start3A_186 : memref<1x32768xf32, #tpu.memory_space<vmem>> -> memref<32768xf32, #tpu.memory_space<vmem>>
      %dma_start3A_188 = tpu.memref_slice %arg4[%add3A_124] : memref<8388608xf32, #tpu.memory_space<hbm>> -> memref<32768xf32, #tpu.memory_space<hbm>>
      %dma_start3A_189 = tpu.memref_slice %arg4[%add3A_124] : memref<8388608xf32, #tpu.memory_space<hbm>> -> memref<32768xf32, #tpu.memory_space<hbm>>
      %dma_start3A_190 = arith.constant 0 : i32
      %dma_start3A_191 = tpu.memref_slice %arg6[%run_scoped3A_125, %dma_start3A_190] : memref<2x32768xf32, #tpu.memory_space<vmem>> -> memref<1x32768xf32, #tpu.memory_space<vmem>>
      %dma_start3A_192 = tpu.memref_squeeze %dma_start3A_191 : memref<1x32768xf32, #tpu.memory_space<vmem>> -> memref<32768xf32, #tpu.memory_space<vmem>>
      tpu.enqueue_dma source(%dma_start3A_192 : memref<32768xf32, #tpu.memory_space<vmem>>) target(%dma_start3A_189 : memref<32768xf32, #tpu.memory_space<hbm>>) target_semaphore(%run_scoped3A_184 : memref<!tpu.dma_semaphore, #tpu.memory_space<semaphore_mem>>)
      %dma_wait3A_193 = arith.constant 0 : i32
      %dma_wait3A_194 = tpu.memref_slice %arg6[%run_scoped3A_125, %dma_wait3A_193] : memref<2x32768xf32, #tpu.memory_space<vmem>> -> memref<1x32768xf32, #tpu.memory_space<vmem>>
      %dma_wait3A_195 = tpu.memref_squeeze %dma_wait3A_194 : memref<1x32768xf32, #tpu.memory_space<vmem>> -> memref<32768xf32, #tpu.memory_space<vmem>>
      %dma_wait3A_196 = tpu.memref_slice %arg4[%add3A_124] : memref<8388608xf32, #tpu.memory_space<hbm>> -> memref<32768xf32, #tpu.memory_space<hbm>>
      %dma_wait3A_197 = tpu.memref_slice %arg4[%add3A_124] : memref<8388608xf32, #tpu.memory_space<hbm>> -> memref<32768xf32, #tpu.memory_space<hbm>>
      %dma_wait3A_198 = arith.constant 0 : i32
      %dma_wait3A_199 = tpu.memref_slice %arg6[%run_scoped3A_125, %dma_wait3A_198] : memref<2x32768xf32, #tpu.memory_space<vmem>> -> memref<1x32768xf32, #tpu.memory_space<vmem>>
      %dma_wait3A_200 = tpu.memref_squeeze %dma_wait3A_199 : memref<1x32768xf32, #tpu.memory_space<vmem>> -> memref<32768xf32, #tpu.memory_space<vmem>>
      tpu.wait_dma2 semaphore(%run_scoped3A_184 : memref<!tpu.dma_semaphore, #tpu.memory_space<semaphore_mem>>) src(%dma_wait3A_200 : memref<32768xf32, #tpu.memory_space<vmem>>) dst(%dma_wait3A_197 : memref<32768xf32, #tpu.memory_space<hbm>>)
      tpu.yield
    }) : () -> ()
    %dma_wait3A_126 = arith.constant 1 : i32
    %dma_wait3A_127 = arith.constant 0 : i32
    %dma_wait3A_128 = tpu.memref_slice %arg6[%dma_wait3A_126, %dma_wait3A_127] : memref<2x32768xf32, #tpu.memory_space<vmem>> -> memref<1x32768xf32, #tpu.memory_space<vmem>>
    %dma_wait3A_129 = tpu.memref_squeeze %dma_wait3A_128 : memref<1x32768xf32, #tpu.memory_space<vmem>> -> memref<32768xf32, #tpu.memory_space<vmem>>
    %dma_wait3A_130 = tpu.memref_slice %arg3[%add3A_113] : memref<8388608xf32, #tpu.memory_space<hbm>> -> memref<32768xf32, #tpu.memory_space<hbm>>
    %dma_wait3A_131 = arith.constant 0 : i32
    %dma_wait3A_132 = tpu.memref_slice %arg6[%dma_wait3A_126, %dma_wait3A_131] : memref<2x32768xf32, #tpu.memory_space<vmem>> -> memref<1x32768xf32, #tpu.memory_space<vmem>>
    %dma_wait3A_133 = tpu.memref_squeeze %dma_wait3A_132 : memref<1x32768xf32, #tpu.memory_space<vmem>> -> memref<32768xf32, #tpu.memory_space<vmem>>
    %dma_wait3A_134 = tpu.memref_slice %arg3[%add3A_113] : memref<8388608xf32, #tpu.memory_space<hbm>> -> memref<32768xf32, #tpu.memory_space<hbm>>
    tpu.wait_dma2 semaphore(%arg8 : memref<!tpu.dma_semaphore, #tpu.memory_space<semaphore_mem>>) src(%dma_wait3A_134 : memref<32768xf32, #tpu.memory_space<hbm>>) dst(%dma_wait3A_133 : memref<32768xf32, #tpu.memory_space<vmem>>)
    %add3A_135 = arith.constant 196608 : i32
    %add3A_136 = arith.addi %mul3A_2, %add3A_135 : i32
    %dma_start3A_137 = arith.constant 0 : i32
    %dma_start3A_138 = arith.constant 0 : i32
    %dma_start3A_139 = tpu.memref_slice %arg6[%dma_start3A_137, %dma_start3A_138] : memref<2x32768xf32, #tpu.memory_space<vmem>> -> memref<1x32768xf32, #tpu.memory_space<vmem>>
    %dma_start3A_140 = tpu.memref_squeeze %dma_start3A_139 : memref<1x32768xf32, #tpu.memory_space<vmem>> -> memref<32768xf32, #tpu.memory_space<vmem>>
    %dma_start3A_141 = tpu.memref_slice %arg3[%add3A_136] : memref<8388608xf32, #tpu.memory_space<hbm>> -> memref<32768xf32, #tpu.memory_space<hbm>>
    %dma_start3A_142 = arith.constant 0 : i32
    %dma_start3A_143 = tpu.memref_slice %arg6[%dma_start3A_137, %dma_start3A_142] : memref<2x32768xf32, #tpu.memory_space<vmem>> -> memref<1x32768xf32, #tpu.memory_space<vmem>>
    %dma_start3A_144 = tpu.memref_squeeze %dma_start3A_143 : memref<1x32768xf32, #tpu.memory_space<vmem>> -> memref<32768xf32, #tpu.memory_space<vmem>>
    %dma_start3A_145 = tpu.memref_slice %arg3[%add3A_136] : memref<8388608xf32, #tpu.memory_space<hbm>> -> memref<32768xf32, #tpu.memory_space<hbm>>
    tpu.enqueue_dma source(%dma_start3A_145 : memref<32768xf32, #tpu.memory_space<hbm>>) target(%dma_start3A_144 : memref<32768xf32, #tpu.memory_space<vmem>>) target_semaphore(%arg7 : memref<!tpu.dma_semaphore, #tpu.memory_space<semaphore_mem>>)
    %add3A_146 = arith.constant 163840 : i32
    %add3A_147 = arith.addi %mul3A_2, %add3A_146 : i32
    %run_scoped3A_148 = arith.constant 1 : i32
    "tpu.region"() ({
      %run_scoped3A_184 = tpu.sem_alloc : memref<!tpu.dma_semaphore, #tpu.memory_space<semaphore_mem>>
      %dma_start3A_185 = arith.constant 0 : i32
      %dma_start3A_186 = tpu.memref_slice %arg6[%run_scoped3A_148, %dma_start3A_185] : memref<2x32768xf32, #tpu.memory_space<vmem>> -> memref<1x32768xf32, #tpu.memory_space<vmem>>
      %dma_start3A_187 = tpu.memref_squeeze %dma_start3A_186 : memref<1x32768xf32, #tpu.memory_space<vmem>> -> memref<32768xf32, #tpu.memory_space<vmem>>
      %dma_start3A_188 = tpu.memref_slice %arg4[%add3A_147] : memref<8388608xf32, #tpu.memory_space<hbm>> -> memref<32768xf32, #tpu.memory_space<hbm>>
      %dma_start3A_189 = tpu.memref_slice %arg4[%add3A_147] : memref<8388608xf32, #tpu.memory_space<hbm>> -> memref<32768xf32, #tpu.memory_space<hbm>>
      %dma_start3A_190 = arith.constant 0 : i32
      %dma_start3A_191 = tpu.memref_slice %arg6[%run_scoped3A_148, %dma_start3A_190] : memref<2x32768xf32, #tpu.memory_space<vmem>> -> memref<1x32768xf32, #tpu.memory_space<vmem>>
      %dma_start3A_192 = tpu.memref_squeeze %dma_start3A_191 : memref<1x32768xf32, #tpu.memory_space<vmem>> -> memref<32768xf32, #tpu.memory_space<vmem>>
      tpu.enqueue_dma source(%dma_start3A_192 : memref<32768xf32, #tpu.memory_space<vmem>>) target(%dma_start3A_189 : memref<32768xf32, #tpu.memory_space<hbm>>) target_semaphore(%run_scoped3A_184 : memref<!tpu.dma_semaphore, #tpu.memory_space<semaphore_mem>>)
      %dma_wait3A_193 = arith.constant 0 : i32
      %dma_wait3A_194 = tpu.memref_slice %arg6[%run_scoped3A_148, %dma_wait3A_193] : memref<2x32768xf32, #tpu.memory_space<vmem>> -> memref<1x32768xf32, #tpu.memory_space<vmem>>
      %dma_wait3A_195 = tpu.memref_squeeze %dma_wait3A_194 : memref<1x32768xf32, #tpu.memory_space<vmem>> -> memref<32768xf32, #tpu.memory_space<vmem>>
      %dma_wait3A_196 = tpu.memref_slice %arg4[%add3A_147] : memref<8388608xf32, #tpu.memory_space<hbm>> -> memref<32768xf32, #tpu.memory_space<hbm>>
      %dma_wait3A_197 = tpu.memref_slice %arg4[%add3A_147] : memref<8388608xf32, #tpu.memory_space<hbm>> -> memref<32768xf32, #tpu.memory_space<hbm>>
      %dma_wait3A_198 = arith.constant 0 : i32
      %dma_wait3A_199 = tpu.memref_slice %arg6[%run_scoped3A_148, %dma_wait3A_198] : memref<2x32768xf32, #tpu.memory_space<vmem>> -> memref<1x32768xf32, #tpu.memory_space<vmem>>
      %dma_wait3A_200 = tpu.memref_squeeze %dma_wait3A_199 : memref<1x32768xf32, #tpu.memory_space<vmem>> -> memref<32768xf32, #tpu.memory_space<vmem>>
      tpu.wait_dma2 semaphore(%run_scoped3A_184 : memref<!tpu.dma_semaphore, #tpu.memory_space<semaphore_mem>>) src(%dma_wait3A_200 : memref<32768xf32, #tpu.memory_space<vmem>>) dst(%dma_wait3A_197 : memref<32768xf32, #tpu.memory_space<hbm>>)
      tpu.yield
    }) : () -> ()
    %dma_wait3A_149 = arith.constant 0 : i32
    %dma_wait3A_150 = arith.constant 0 : i32
    %dma_wait3A_151 = tpu.memref_slice %arg6[%dma_wait3A_149, %dma_wait3A_150] : memref<2x32768xf32, #tpu.memory_space<vmem>> -> memref<1x32768xf32, #tpu.memory_space<vmem>>
    %dma_wait3A_152 = tpu.memref_squeeze %dma_wait3A_151 : memref<1x32768xf32, #tpu.memory_space<vmem>> -> memref<32768xf32, #tpu.memory_space<vmem>>
    %dma_wait3A_153 = tpu.memref_slice %arg3[%add3A_136] : memref<8388608xf32, #tpu.memory_space<hbm>> -> memref<32768xf32, #tpu.memory_space<hbm>>
    %dma_wait3A_154 = arith.constant 0 : i32
    %dma_wait3A_155 = tpu.memref_slice %arg6[%dma_wait3A_149, %dma_wait3A_154] : memref<2x32768xf32, #tpu.memory_space<vmem>> -> memref<1x32768xf32, #tpu.memory_space<vmem>>
    %dma_wait3A_156 = tpu.memref_squeeze %dma_wait3A_155 : memref<1x32768xf32, #tpu.memory_space<vmem>> -> memref<32768xf32, #tpu.memory_space<vmem>>
    %dma_wait3A_157 = tpu.memref_slice %arg3[%add3A_136] : memref<8388608xf32, #tpu.memory_space<hbm>> -> memref<32768xf32, #tpu.memory_space<hbm>>
    tpu.wait_dma2 semaphore(%arg7 : memref<!tpu.dma_semaphore, #tpu.memory_space<semaphore_mem>>) src(%dma_wait3A_157 : memref<32768xf32, #tpu.memory_space<hbm>>) dst(%dma_wait3A_156 : memref<32768xf32, #tpu.memory_space<vmem>>)
    %add3A_158 = arith.constant 229376 : i32
    %add3A_159 = arith.addi %mul3A_2, %add3A_158 : i32
    %dma_start3A_160 = arith.constant 1 : i32
    %dma_start3A_161 = arith.constant 0 : i32
    %dma_start3A_162 = tpu.memref_slice %arg6[%dma_start3A_160, %dma_start3A_161] : memref<2x32768xf32, #tpu.memory_space<vmem>> -> memref<1x32768xf32, #tpu.memory_space<vmem>>
    %dma_start3A_163 = tpu.memref_squeeze %dma_start3A_162 : memref<1x32768xf32, #tpu.memory_space<vmem>> -> memref<32768xf32, #tpu.memory_space<vmem>>
    %dma_start3A_164 = tpu.memref_slice %arg3[%add3A_159] : memref<8388608xf32, #tpu.memory_space<hbm>> -> memref<32768xf32, #tpu.memory_space<hbm>>
    %dma_start3A_165 = arith.constant 0 : i32
    %dma_start3A_166 = tpu.memref_slice %arg6[%dma_start3A_160, %dma_start3A_165] : memref<2x32768xf32, #tpu.memory_space<vmem>> -> memref<1x32768xf32, #tpu.memory_space<vmem>>
    %dma_start3A_167 = tpu.memref_squeeze %dma_start3A_166 : memref<1x32768xf32, #tpu.memory_space<vmem>> -> memref<32768xf32, #tpu.memory_space<vmem>>
    %dma_start3A_168 = tpu.memref_slice %arg3[%add3A_159] : memref<8388608xf32, #tpu.memory_space<hbm>> -> memref<32768xf32, #tpu.memory_space<hbm>>
    tpu.enqueue_dma source(%dma_start3A_168 : memref<32768xf32, #tpu.memory_space<hbm>>) target(%dma_start3A_167 : memref<32768xf32, #tpu.memory_space<vmem>>) target_semaphore(%arg8 : memref<!tpu.dma_semaphore, #tpu.memory_space<semaphore_mem>>)
    %add3A_169 = arith.constant 196608 : i32
    %add3A_170 = arith.addi %mul3A_2, %add3A_169 : i32
    %run_scoped3A_171 = arith.constant 0 : i32
    "tpu.region"() ({
      %run_scoped3A_184 = tpu.sem_alloc : memref<!tpu.dma_semaphore, #tpu.memory_space<semaphore_mem>>
      %dma_start3A_185 = arith.constant 0 : i32
      %dma_start3A_186 = tpu.memref_slice %arg6[%run_scoped3A_171, %dma_start3A_185] : memref<2x32768xf32, #tpu.memory_space<vmem>> -> memref<1x32768xf32, #tpu.memory_space<vmem>>
      %dma_start3A_187 = tpu.memref_squeeze %dma_start3A_186 : memref<1x32768xf32, #tpu.memory_space<vmem>> -> memref<32768xf32, #tpu.memory_space<vmem>>
      %dma_start3A_188 = tpu.memref_slice %arg4[%add3A_170] : memref<8388608xf32, #tpu.memory_space<hbm>> -> memref<32768xf32, #tpu.memory_space<hbm>>
      %dma_start3A_189 = tpu.memref_slice %arg4[%add3A_170] : memref<8388608xf32, #tpu.memory_space<hbm>> -> memref<32768xf32, #tpu.memory_space<hbm>>
      %dma_start3A_190 = arith.constant 0 : i32
      %dma_start3A_191 = tpu.memref_slice %arg6[%run_scoped3A_171, %dma_start3A_190] : memref<2x32768xf32, #tpu.memory_space<vmem>> -> memref<1x32768xf32, #tpu.memory_space<vmem>>
      %dma_start3A_192 = tpu.memref_squeeze %dma_start3A_191 : memref<1x32768xf32, #tpu.memory_space<vmem>> -> memref<32768xf32, #tpu.memory_space<vmem>>
      tpu.enqueue_dma source(%dma_start3A_192 : memref<32768xf32, #tpu.memory_space<vmem>>) target(%dma_start3A_189 : memref<32768xf32, #tpu.memory_space<hbm>>) target_semaphore(%run_scoped3A_184 : memref<!tpu.dma_semaphore, #tpu.memory_space<semaphore_mem>>)
      %dma_wait3A_193 = arith.constant 0 : i32
      %dma_wait3A_194 = tpu.memref_slice %arg6[%run_scoped3A_171, %dma_wait3A_193] : memref<2x32768xf32, #tpu.memory_space<vmem>> -> memref<1x32768xf32, #tpu.memory_space<vmem>>
      %dma_wait3A_195 = tpu.memref_squeeze %dma_wait3A_194 : memref<1x32768xf32, #tpu.memory_space<vmem>> -> memref<32768xf32, #tpu.memory_space<vmem>>
      %dma_wait3A_196 = tpu.memref_slice %arg4[%add3A_170] : memref<8388608xf32, #tpu.memory_space<hbm>> -> memref<32768xf32, #tpu.memory_space<hbm>>
      %dma_wait3A_197 = tpu.memref_slice %arg4[%add3A_170] : memref<8388608xf32, #tpu.memory_space<hbm>> -> memref<32768xf32, #tpu.memory_space<hbm>>
      %dma_wait3A_198 = arith.constant 0 : i32
      %dma_wait3A_199 = tpu.memref_slice %arg6[%run_scoped3A_171, %dma_wait3A_198] : memref<2x32768xf32, #tpu.memory_space<vmem>> -> memref<1x32768xf32, #tpu.memory_space<vmem>>
      %dma_wait3A_200 = tpu.memref_squeeze %dma_wait3A_199 : memref<1x32768xf32, #tpu.memory_space<vmem>> -> memref<32768xf32, #tpu.memory_space<vmem>>
      tpu.wait_dma2 semaphore(%run_scoped3A_184 : memref<!tpu.dma_semaphore, #tpu.memory_space<semaphore_mem>>) src(%dma_wait3A_200 : memref<32768xf32, #tpu.memory_space<vmem>>) dst(%dma_wait3A_197 : memref<32768xf32, #tpu.memory_space<hbm>>)
      tpu.yield
    }) : () -> ()
    %dma_wait3A_172 = arith.constant 1 : i32
    %dma_wait3A_173 = arith.constant 0 : i32
    %dma_wait3A_174 = tpu.memref_slice %arg6[%dma_wait3A_172, %dma_wait3A_173] : memref<2x32768xf32, #tpu.memory_space<vmem>> -> memref<1x32768xf32, #tpu.memory_space<vmem>>
    %dma_wait3A_175 = tpu.memref_squeeze %dma_wait3A_174 : memref<1x32768xf32, #tpu.memory_space<vmem>> -> memref<32768xf32, #tpu.memory_space<vmem>>
    %dma_wait3A_176 = tpu.memref_slice %arg3[%add3A_159] : memref<8388608xf32, #tpu.memory_space<hbm>> -> memref<32768xf32, #tpu.memory_space<hbm>>
    %dma_wait3A_177 = arith.constant 0 : i32
    %dma_wait3A_178 = tpu.memref_slice %arg6[%dma_wait3A_172, %dma_wait3A_177] : memref<2x32768xf32, #tpu.memory_space<vmem>> -> memref<1x32768xf32, #tpu.memory_space<vmem>>
    %dma_wait3A_179 = tpu.memref_squeeze %dma_wait3A_178 : memref<1x32768xf32, #tpu.memory_space<vmem>> -> memref<32768xf32, #tpu.memory_space<vmem>>
    %dma_wait3A_180 = tpu.memref_slice %arg3[%add3A_159] : memref<8388608xf32, #tpu.memory_space<hbm>> -> memref<32768xf32, #tpu.memory_space<hbm>>
    tpu.wait_dma2 semaphore(%arg8 : memref<!tpu.dma_semaphore, #tpu.memory_space<semaphore_mem>>) src(%dma_wait3A_180 : memref<32768xf32, #tpu.memory_space<hbm>>) dst(%dma_wait3A_179 : memref<32768xf32, #tpu.memory_space<vmem>>)
    %add3A_181 = arith.constant 229376 : i32
    %add3A_182 = arith.addi %mul3A_2, %add3A_181 : i32
    %run_scoped3A_183 = arith.constant 1 : i32
    "tpu.region"() ({
      %run_scoped3A_184 = tpu.sem_alloc : memref<!tpu.dma_semaphore, #tpu.memory_space<semaphore_mem>>
      %dma_start3A_185 = arith.constant 0 : i32
      %dma_start3A_186 = tpu.memref_slice %arg6[%run_scoped3A_183, %dma_start3A_185] : memref<2x32768xf32, #tpu.memory_space<vmem>> -> memref<1x32768xf32, #tpu.memory_space<vmem>>
      %dma_start3A_187 = tpu.memref_squeeze %dma_start3A_186 : memref<1x32768xf32, #tpu.memory_space<vmem>> -> memref<32768xf32, #tpu.memory_space<vmem>>
      %dma_start3A_188 = tpu.memref_slice %arg4[%add3A_182] : memref<8388608xf32, #tpu.memory_space<hbm>> -> memref<32768xf32, #tpu.memory_space<hbm>>
      %dma_start3A_189 = tpu.memref_slice %arg4[%add3A_182] : memref<8388608xf32, #tpu.memory_space<hbm>> -> memref<32768xf32, #tpu.memory_space<hbm>>
      %dma_start3A_190 = arith.constant 0 : i32
      %dma_start3A_191 = tpu.memref_slice %arg6[%run_scoped3A_183, %dma_start3A_190] : memref<2x32768xf32, #tpu.memory_space<vmem>> -> memref<1x32768xf32, #tpu.memory_space<vmem>>
      %dma_start3A_192 = tpu.memref_squeeze %dma_start3A_191 : memref<1x32768xf32, #tpu.memory_space<vmem>> -> memref<32768xf32, #tpu.memory_space<vmem>>
      tpu.enqueue_dma source(%dma_start3A_192 : memref<32768xf32, #tpu.memory_space<vmem>>) target(%dma_start3A_189 : memref<32768xf32, #tpu.memory_space<hbm>>) target_semaphore(%run_scoped3A_184 : memref<!tpu.dma_semaphore, #tpu.memory_space<semaphore_mem>>)
      %dma_wait3A_193 = arith.constant 0 : i32
      %dma_wait3A_194 = tpu.memref_slice %arg6[%run_scoped3A_183, %dma_wait3A_193] : memref<2x32768xf32, #tpu.memory_space<vmem>> -> memref<1x32768xf32, #tpu.memory_space<vmem>>
      %dma_wait3A_195 = tpu.memref_squeeze %dma_wait3A_194 : memref<1x32768xf32, #tpu.memory_space<vmem>> -> memref<32768xf32, #tpu.memory_space<vmem>>
      %dma_wait3A_196 = tpu.memref_slice %arg4[%add3A_182] : memref<8388608xf32, #tpu.memory_space<hbm>> -> memref<32768xf32, #tpu.memory_space<hbm>>
      %dma_wait3A_197 = tpu.memref_slice %arg4[%add3A_182] : memref<8388608xf32, #tpu.memory_space<hbm>> -> memref<32768xf32, #tpu.memory_space<hbm>>
      %dma_wait3A_198 = arith.constant 0 : i32
      %dma_wait3A_199 = tpu.memref_slice %arg6[%run_scoped3A_183, %dma_wait3A_198] : memref<2x32768xf32, #tpu.memory_space<vmem>> -> memref<1x32768xf32, #tpu.memory_space<vmem>>
      %dma_wait3A_200 = tpu.memref_squeeze %dma_wait3A_199 : memref<1x32768xf32, #tpu.memory_space<vmem>> -> memref<32768xf32, #tpu.memory_space<vmem>>
      tpu.wait_dma2 semaphore(%run_scoped3A_184 : memref<!tpu.dma_semaphore, #tpu.memory_space<semaphore_mem>>) src(%dma_wait3A_200 : memref<32768xf32, #tpu.memory_space<vmem>>) dst(%dma_wait3A_197 : memref<32768xf32, #tpu.memory_space<hbm>>)
      tpu.yield
    }) : () -> ()
    return
  }
}

</mosaic_0001>

<sc_bundles>
// kernel: kernel.3.cloned.1.call-start
scs
__scs_entry_jumppad:
0x0: {  	(pc) =	sbr.rel $0x88, $3  }
0x1: {  	(tag) =	ssettag $0x0;
	lr =	simm.s32 $0x1  }
0x2: {  	[smem:$0x3F9F] =	sst lr;
	_ =	strace $0xD0000000  }
0x3: {  	_ = 	snop  }
0x4: {  	_ = 	snop  }
0x5: {  	_ = 	snop  }
0x6: {  	_ = 	snop  }
0x7: {  	_ = 	snop  }
__scs_overlays_trampoline_lowered:
0x8: {  	[smem:$0x3FAE] =	sst s0  }
0x9: {  	[smem:$0x3FAF] =	sst s1  }
0xa: {  	[smem:$0x3FB0] =	sst s2  }
0xb: {  	[smem:$0x3FB1] =	sst s3  }
0xc: {  	[smem:$0x3FB2] =	sst s4  }
0xd: {  	[smem:$0x3FB3] =	sst s5  }
0xe: {  	[smem:$0x3FB4] =	sst s6  }
0xf: {  	[smem:$0x3FB5] =	sst s7  }
0x10: {  	[smem:$0x3FB6] =	sst s8  }
0x11: {  	[smem:$0x3FB7] =	sst s9;
	s0 =	simm.s32 @!p0 $0x0  }
0x12: {  	s1 =	sld [smem:$0x3F9D];
	s0 =	simm.s32 @p0 $0x1  }
0x13: {  	[smem:$0x3FB8] =	sst s0;
	s0 =	simm.s32 @!p1 $0x0  }
0x14: {  	s2 =	sld [smem:$0x3F9C];
	s0 =	simm.s32 @p1 $0x1  }
0x15: {  	[smem:$0x3FB9] =	sst s0;
	s0 =	simm.s32 @!p2 $0x0  }
0x16: {  	s3 =	sld [smem:$0x3FDB];
	s0 =	simm.s32 @p2 $0x1  }
0x17: {  	s4 =	simm.s32 $0x1BF5;
	[smem:$0x3FBB] =	sst s0  }
0x18: {  	s0 =	sld [smem:$0x3F9E];
	_ =	swait.ge [sflag:s4], $0x0  }
0x19: {  	s7 =	sld [smem:$0x3F9F]  }
0x1a: {  	s8 =	sadd.s32 $0xFFFFE003, lr  }
0x1b: {  	s9 =	sadd.s32 $0xFFFFFEF7, lr;
	s5 =	simm.s32 $0xFFFFFFFF;
	p2 =	slt.u32 s8, $0xFFFFF086  }
0x1c: {  	p1 =	slt.u32 s9, $0xF7A;
	s5 =	simm.s32 @!p2 $0x0  }
0x1d: {  	s5 =	simm.s32 @p1 $0x1;
	p0 =	seq.s32 s7, s2  }
0x1e: {  	s7 =	smul.u32 @!p0 $0xF7A, s2;
	p2 =	seq.s32 @!p0 s5, $0x0  }
0x1f: {  	s9 =	smul.u32 $0xF7A, s1;
	s8 =	simm.s32 @!p0 $0x1BF5;
	p2 =	por !p2, p0  }
0x20: {  	[sflag:s8] =	ssyncset.s32 @!p0 $0xFFFFF086;
	s6 =	sadd.s32 @!p0 s3, s7;
	s7 =	simm.s32 @!p0 $0x108  }
0x21: {  	s3 =	sadd.s32 s3, s9;
	s6 =	sadd.s32 @!p0 $0x88, s6;
	s7 =	simm.s32 @p2 $0x1082  }
0x22: {  	[simem:s7], [sflag:s8] =	dma.local @!p0 [hbm:s6], $0xF7A  }
0x23: {  	s9 =	sor.u32 $0xD0000000, s2;
	s6 =	simm.s32 $0x108;
	_ =	swait.ge @!p0 [sflag:s8], $0x0  }
0x24: {  	s3 =	sadd.s32 $0x88, s3;
	s6 =	simm.s32 @!p1 $0x1082;
	[sflag:s4] =	ssyncset.s32 $0xFFFFF086  }
0x25: {  	[simem:s6], [sflag:s4] =	dma.local [hbm:s3], $0xF7A  }
0x26: {  	[smem:$0x3F9F] =	sst s1;
	(tag) =	ssettag s2;
	_ =	strace s9  }
0x27: {  	s1 =	sld [smem:$0x3FAF]  }
0x28: {  	s2 =	sld [smem:$0x3FB0]  }
0x29: {  	s4 =	sld [smem:$0x3FB2]  }
0x2a: {  	p0 =	seq.s32 s5, $0x0;
	s5 =	sld [smem:$0x3FB3]  }
0x2b: {  	s6 =	sld [smem:$0x3FB4]  }
0x2c: {  	s7 =	sld [smem:$0x3FB5]  }
0x2d: {  	s3 =	simm.s32 $0x108;
	s8 =	sld [smem:$0x3FB6]  }
0x2e: {  	s3 =	simm.s32 @!p0 $0x1082;
	s9 =	sld [smem:$0x3FB7]  }
0x2f: {  	lr =	sadd.s32 s0, s3;
	s0 =	sld [smem:$0x3FAE]  }
0x30: {  	s3 =	sld [smem:$0x3FB1]  }
0x31: {  	[smem:$0x3FBA] =	sst s10  }
0x32: {  	s10 =	sld [smem:$0x3FB8];
	_ =	sdelay $0x3  }
0x33: {  	p0 =	seq.s32 s10, $0x1;
	s10 =	sld [smem:$0x3FBA];
	_ =	sdelay $0x3  }
0x34: {  	[smem:$0x3FBA] =	sst s10  }
0x35: {  	s10 =	sld [smem:$0x3FB9];
	_ =	sdelay $0x3  }
0x36: {  	p1 =	seq.s32 s10, $0x1;
	s10 =	sld [smem:$0x3FBA];
	_ =	sdelay $0x3  }
0x37: {  	[smem:$0x3FBA] =	sst s10  }
0x38: {  	s10 =	sld [smem:$0x3FBB]  }
0x39: {  	_ = 	snop;
	(pc) =	sbr.ind lr, $3  }
0x3a: {  	_ = 	snop  }
0x3b: {  	_ = 	snop  }
0x3c: {  	p2 =	seq.s32 s10, $0x1;
	s10 =	sld [smem:$0x3FBA]  }
0x3d: {  	_ =	shalt  }
0x3e: {  	_ =	shalt  }
0x3f: {  	_ =	shalt  }
0x40: {  	_ =	shalt  }
0x41: {  	_ =	shalt  }
0x42: {  	_ =	shalt  }
0x43: {  	_ =	shalt  }
0x44: {  	_ =	shalt  }
0x45: {  	_ =	shalt  }
0x46: {  	_ =	shalt  }
0x47: {  	_ =	shalt  }
0x48: {  	_ =	shalt  }
0x49: {  	_ =	shalt  }
0x4a: {  	_ =	shalt  }
0x4b: {  	_ =	shalt  }
0x4c: {  	_ =	shalt  }
0x4d: {  	_ =	shalt  }
0x4e: {  	_ =	shalt  }
0x4f: {  	_ =	shalt  }
0x50: {  	_ =	shalt  }
0x51: {  	_ =	shalt  }
0x52: {  	_ =	shalt  }
0x53: {  	_ =	shalt  }
0x54: {  	_ =	shalt  }
0x55: {  	_ =	shalt  }
0x56: {  	_ =	shalt  }
0x57: {  	_ =	shalt  }
0x58: {  	_ =	shalt  }
0x59: {  	_ =	shalt  }
0x5a: {  	_ =	shalt  }
0x5b: {  	_ =	shalt  }
0x5c: {  	_ =	shalt  }
0x5d: {  	_ =	shalt  }
0x5e: {  	_ =	shalt  }
0x5f: {  	_ =	shalt  }
0x60: {  	_ =	shalt  }
0x61: {  	_ =	shalt  }
0x62: {  	_ =	shalt  }
0x63: {  	_ =	shalt  }
0x64: {  	_ =	shalt  }
0x65: {  	_ =	shalt  }
0x66: {  	_ =	shalt  }
0x67: {  	_ =	shalt  }
0x68: {  	_ =	shalt  }
0x69: {  	_ =	shalt  }
0x6a: {  	_ =	shalt  }
0x6b: {  	_ =	shalt  }
0x6c: {  	_ =	shalt  }
0x6d: {  	_ =	shalt  }
0x6e: {  	_ =	shalt  }
0x6f: {  	_ =	shalt  }
0x70: {  	_ =	shalt  }
0x71: {  	_ =	shalt  }
0x72: {  	_ =	shalt  }
0x73: {  	_ =	shalt  }
0x74: {  	_ =	shalt  }
0x75: {  	_ =	shalt  }
0x76: {  	_ =	shalt  }
0x77: {  	_ =	shalt  }
0x78: {  	_ =	shalt  }
0x79: {  	_ =	shalt  }
0x7a: {  	_ =	shalt  }
0x7b: {  	_ =	shalt  }
0x7c: {  	_ =	shalt  }
0x7d: {  	_ =	shalt  }
0x7e: {  	_ =	shalt  }
0x7f: {  	_ =	shalt  }
0x80: {  	_ =	shalt  }
0x81: {  	_ =	shalt  }
0x82: {  	_ =	shalt  }
0x83: {  	_ =	shalt  }
0x84: {  	_ =	shalt  }
0x85: {  	_ =	shalt  }
0x86: {  	_ =	shalt  }
0x87: {  	_ =	shalt  }
.Lfunc_end0:
.L_simem_size_0:
called_computation_lowered:
.L_overlay_start_0:
0x88: {  	s2 =	sld [smem:$0x3FD9]  }
0x89: {  	s3 =	sld [smem:$0x3FFE];
	_ =	sdelay $0x1  }
0x8a: {  	s1 =	srdreg.scid  }
0x8b: {  	s0 =	sand.u32 $0x1, s1  }
0x8c: {  	s18 =	sshll.u32 s0, $0xA;
	s2 =	sadd.s32 s3, s2  }
0x8d: {  	s2 =	sadd.s32 s2, s18  }
0x8e: {  	[smem:$0x3FC6] =	sst s2  }
0x8f: {  	_ = 	snop  }
0x90: {  	s2 =	sld [smem:$0x3FC9]  }
0x91: {  	s19 =	sld [smem:$0x3FC8]  }
0x92: {  	s4 =	sld [smem:$0x3FD0];
	(tm) =	ssettm $0x1  }
0x93: {  	s5 =	sld [smem:$0x3FFB];
	_ =	sdelay $0x3  }
0x94: {  	_ =	strace s5  }
0x95: {  	s5 =	sld [smem:$0x3FFC];
	_ =	sdelay $0x3  }
0x96: {  	_ =	strace s5  }
0x97: {  	s5 =	sld [smem:$0x3FFD];
	_ =	sdelay $0x3  }
0x98: {  	_ =	strace s5  }
0x99: {  	_ =	strace $0x8FFFFFFF  }
0x9a: {  	s20 =	sld [smem:$0x3FDB];
	_ =	sdelay $0x1  }
0x9b: {  	s6 =	simm.s32 $_scs_section_size  }
0x9c: {  	s7 =	simm.s32 $_size__tile_overlayer_lowered;
	s8 =	simm.s32 $_tile_overlayer_lowered  }
0x9d: {  	s23 =	simm.s32 $0x1BFF;
	s22 =	sshll.u32 s8, $0x1;
	s5 =	sadd.s32 s6, s20  }
0x9e: {  	s9 =	simm.s32 $0x0;
	s21 =	sshll.u32 s7, $0x1;
	s7 =	sadd.s32 s22, s5  }
0x9f: {  	[timem:s9], [sflag:s23] =	dma.local [hbm:s7], s21  }
0xa0: {  	_ =	swait.ge [sflag:s23], s21  }
0xa1: {  	s6 =	ssub.s32 $0x0, s21;
	[sflag:s23] =	ssyncset.done $0x0  }
0xa2: {  	[sflag:s23] =	ssyncadd.s32 s6;
	_ =	sdelay $0x1  }
0xa3: {  	s24 =	simm.s32 $0x1B8B  }
0xa4: {  	_ =	swait.ge [sflag:s24], $0x1  }
0xa5: {  	[sflag:s24] =	ssyncset.done $0x0  }
0xa6: {  	s25 =	simm.s32 $0x1B8E;
	[sflag:s24] =	ssyncadd.s32 $0xFFFFFFFF  }
0xa7: {  	s26 =	simm.s32 $execute0_lowered;
	[smem:$0x3FD2] =	sst s25  }
0xa8: {  	s6 =	sshll.u32 s26, $0x1;
	_ =	strace $0x80000046;
	[dreg:$0x1] =	wrdreg $0xFFFFFFFF  }
0xa9: {  	s28 =	simm.s32 $_size_execute0_lowered;
	s5 =	sadd.s32 s5, s6;
	[dreg:$0x0] =	wrdreg $0x0  }
0xaa: {  	s6 =	sshll.u32 s28, $0x1;
	[dreg:$0x2] =	wrdreg s5  }
0xab: {  	[dreg:$0x3] =	wrdreg s6  }
0xac: {  	[dreg:$0x4] =	wrdreg $0xC0  }
0xad: {  	_ =	task [dreg:s9], $0x5FFFF  }
0xae: {  	[dreg:$0x1] =	wrdreg $0xFFFFFFFF  }
0xaf: {  	[dreg:$0x0] =	wrdreg $0x60  }
0xb0: {  	[dreg:$0x2] =	wrdreg s19  }
0xb1: {  	[dreg:$0x3] =	wrdreg s2  }
0xb2: {  	[dreg:$0x4] =	wrdreg s4  }
0xb3: {  	[dreg:$0x5] =	wrdreg $0x9  }
0xb4: {  	_ =	task.clear_ibuf [dreg:s9], $0x6FFFF;
	_ =	strace $0x90000046  }
0xb5: {  	s29 =	simm.s32 $0x9;
	_ =	strace $0x80000048  }
0xb6: {  	_ =	swait.ge [sflag:s29], $0x1  }
0xb7: {  	[sflag:s29] =	ssyncadd.s32 $0xFFFFFFFF  }
0xb8: {  	_ =	strace $0x90000048  }
0xb9: {  	_ =	sfence  }
0xba: {  	s30 =	sld [smem:$0x0];
	_ =	sdelay $0x2  }
0xbb: {  	s31 =	sshll.u32 s1, $0xD;
	s1 =	sshrl.u32 s1, $0x2  }
0xbc: {  	s3 =	sand.u32 $0x4000, s31;
	s1 =	sadd.s32 s1, s30  }
0xbd: {  	s0 =	sor.u32 s3, s0;
	s1 =	sshll.u32 s1, $0x11  }
0xbe: {  	s0 =	sor.u32 s1, s0  }
0xbf: {  	s0 =	sadd.s32 $0x8F2B, s0  }
0xc0: {  	[sflag:s0] =	ssyncadd.remote.s32 $0x1  }
0xc1: {  	_ =	sfence.sel $0xFFFF  }
0xc2: {  	[dreg:$0x0] =	wrdreg $0xFFFFFFFF;
	(pc) =	sbr.abs _section_cstart, $3  }
0xc3: {  	[dreg:$0x1] =	wrdreg $0xFFFFFFFF  }
0xc4: {  	_ =	task.clear_ibuf [dreg:s9], $0x2FFFF;
	_ =	strace $0x9FFFFFFF  }
0xc5: {  	(tm) =	ssettm $0x7FFFFFFF  }
tec
execute0_lowered:
.L_overlay_start_1:
0x0: {  	(tag) =	ssettag $0x1  }
0x1: {  	s1 =	rddreg [dreg:$0x0]  }
0x2: {  	s17 =	rddreg [dreg:$0x1]  }
0x3: {  	s19 =	rddreg [dreg:$0x2]  }
0x4: {  	s0 =	rddreg [dreg:$0x3]  }
0x5: {  	s4 =	srdreg.scid;
	s2 =	stileid.u32  }
0x6: {  	s3 =	simm.s32 $0x0;
	s24 =	simm.s32 $0x0;
	s4 =	sand.u32 $0x1, s4  }
0x7: {  	s5 =	sshll.u32 s2, $0x1;
	[smem:$0x7FF] =	sst s3;
	s6 =	ssub.s32 $0x2, s4  }
0x8: {  	s22 =	sor.u32 s4, s5;
	_ =	strace $0x80000047;
	s31 =	sshrl.u32 s6, $0x1  }
0x9: {  	s18 =	sshll.u32 s22, $0xF;
	p0 =	sne.s32 s22, $0x0;
	s22 =	simm.s32 $0x3  }
0xa: {  	s20 =	ssub.s32 s6, s31;
	s4 =	sadd.s32 s17, s18;
	s8 =	sor.u32 $0x1000, s18  }
0xb: {  	s6 =	sadd.s32 s19, s18;
	s10 =	sor.u32 $0x2000, s18;
	s12 =	sor.u32 $0x3000, s18  }
0xc: {  	s14 =	sor.u32 $0x4000, s18;
	s16 =	sor.u32 $0x5000, s18;
	s21 =	sor.u32 $0x6000, s18  }
0xd: {  	s23 =	sor.u32 $0x7000, s18;
	s5 =	sadd.s32 s17, s8;
	s7 =	sadd.s32 s17, s10  }
0xe: {  	s8 =	sadd.s32 s19, s8;
	s9 =	sadd.s32 s17, s12;
	s10 =	sadd.s32 s19, s10  }
0xf: {  	s11 =	sadd.s32 s17, s14;
	s12 =	sadd.s32 s19, s12;
	s13 =	sadd.s32 s17, s16  }
0x10: {  	s14 =	sadd.s32 s19, s14;
	s15 =	sadd.s32 s17, s21;
	s16 =	sadd.s32 s19, s16  }
0x11: {  	s17 =	sadd.s32 s17, s23;
	s18 =	sadd.s32 s19, s21;
	s19 =	sadd.s32 s19, s23  }
0x12: {  	vm0 =	vmmov @!p0 $0x1;
	s20 =	smax.u32 s20, $0x1;
	s21 =	simm.s32 $0x1;
	s23 =	simm.s32 $0x2  }
.LBB2_1:
0x13: {  	s25 =	simm.s32 $0x80  }
0x14: {  	s26 =	simm.s32 $0x10;
	s29 =	sadd.s32 $0x0, s4;
	s28 =	simm.s32 $0x180  }
.LBB2_2:
0x15: {  	[tilespmem:s25], [sflag:$0x1] =	stream.linear.gather [hbm4b:s29+s3], $0x80, $0x38;
	[tilespmem:$0x10080] =	vst v63  }
0x16: {  	s29 =	smov.u32 s26;
	s25 =	smov.u32 s28;
	p1 =	sne.s32 s26, $0xFF0  }
.Ltmp0:
0x17: {  	s26 =	sadd.s32 $0x10, s26;
	(pc) =	sbr.rel @p1 .LBB2_2-.Ltmp0, $2  }
0x18: {  	_ =	sdelay $0x2  }
0x19: {  	s28 =	sadd.s32 $0x100, s28;
	s29 =	sadd.s32 s29, s4  }
0x1a: {  	[tilespmem:s25], [sflag:$0x1] =	stream.linear.gather [hbm4b:s29+s3], $0x80, $0x38;
	[tilespmem:$0x10080] =	vst v63  }
0x1b: {  	_ =	swait.ge [sflag:s21], $0x8000  }
0x1c: {  	s25 =	simm.s32 $0x100;
	s26 =	simm.s32 $0x10;
	[sflag:s21] =	ssyncset.done $0x0  }
0x1d: {  	s29 =	sadd.s32 $0x0, s5;
	s28 =	simm.s32 $0x200;
	[sflag:s21] =	ssyncadd.s32 $0xFFFF8000  }
.LBB2_4:
0x1e: {  	[tilespmem:s25], [sflag:$0x2] =	stream.linear.gather [hbm4b:s29+s3], $0x80, $0x38;
	[tilespmem:$0x10080] =	vst v63  }
0x1f: {  	s29 =	smov.u32 s26;
	s25 =	smov.u32 s28;
	p1 =	sne.s32 s26, $0xFF0  }
.Ltmp1:
0x20: {  	s26 =	sadd.s32 $0x10, s26;
	(pc) =	sbr.rel @p1 .LBB2_4-.Ltmp1, $2  }
0x21: {  	_ =	sdelay $0x2  }
0x22: {  	s28 =	sadd.s32 $0x100, s28;
	s29 =	sadd.s32 s29, s5  }
0x23: {  	[tilespmem:s25], [sflag:$0x2] =	stream.linear.gather [hbm4b:s29+s3], $0x80, $0x38;
	v0 =	vimm.f32 @!p0 $0.0e+00;
	[tilespmem:$0x10080] =	vst v63  }
0x24: {  	s25 =	simm.s32 @!p0 $0x0;
	[tilespmem:$0x0] =	vst @!p0 v0  }
0x25: {  	[tilespmem:s25], [sflag:$0x3] =	stream.linear.gather @!p0 [hbm4b:s1+s25], $0x1, $0x38;
	[tilespmem:$0x10080] =	vst v63  }
0x26: {  	s25 =	simm.s32 @!p0 $0x3  }
0x27: {  	_ =	swait.ge @!p0 [sflag:s25], $0x1  }
0x28: {  	[sflag:s25] =	ssyncset.done @!p0 $0x0  }
0x29: {  	[sflag:s25] =	ssyncadd.s32 @!p0 $0xFFFFFFFF  }
0x2a: {  	v0 =	vld @!p0 [tilespmem:$0x0];
	_ =	sdelay $0x4  }
0x2b: {  	v1 =	vadd.f32 @!p0 $-5.000000000e+02, v0;
	_ =	sdelay $0x1  }
0x2c: {  	v1 =	vmul.f32 @!p0 $1.570999970e-03, v1;
	_ =	sdelay $0x1  }
0x2d: {  	v1 =	vadd.f32 @!p0 $-1.570796370e+00, v1;
	_ =	sdelay $0x1  }
0x2e: {  	v1 =	vmul.f32 @!p0 v1, v1;
	_ =	sdelay $0x1  }
0x2f: {  	v2 =	vmul.f32 @!p0 $2.087675590e-09, v1;
	_ =	sdelay $0x1  }
0x30: {  	v2 =	vadd.f32 @!p0 $-2.755732000e-07, v2;
	_ =	sdelay $0x1  }
0x31: {  	v2 =	vmul.f32 @!p0 v2, v1;
	_ =	sdelay $0x1  }
0x32: {  	v2 =	vadd.f32 @!p0 $2.480158760e-05, v2;
	_ =	sdelay $0x1  }
0x33: {  	v2 =	vmul.f32 @!p0 v2, v1;
	_ =	sdelay $0x1  }
0x34: {  	v2 =	vadd.f32 @!p0 $-1.388888920e-03, v2;
	_ =	sdelay $0x1  }
0x35: {  	v2 =	vmul.f32 @!p0 v2, v1;
	_ =	sdelay $0x1  }
0x36: {  	v2 =	vadd.f32 @!p0 $4.166666790e-02, v2;
	_ =	sdelay $0x1  }
0x37: {  	v2 =	vmul.f32 @!p0 v2, v1;
	_ =	sdelay $0x1  }
0x38: {  	v2 =	vadd.f32 @!p0 $-5.000000000e-01, v2;
	_ =	sdelay $0x1  }
0x39: {  	v1 =	vmul.f32 @!p0 v2, v1;
	_ =	sdelay $0x1  }
0x3a: {  	v1 =	vadd.f32 @!p0 $1.000000000e+00, v1;
	_ =	sdelay $0x1  }
0x3b: {  	v2 =	vld @!p0 [tilespmem:$0x80];
	v1 =	vmul.f32 @!p0 $9.999999770e-03, v1;
	_ =	sdelay $0x1  }
0x3c: {  	vm1 =	vgt.f32 @!p0 v0, $5.000000000e+02;
	vm2 =	vlt.f32 @!p0 v0, $2.502546140e+03;
	v0 =	vmul.f32 @!p0 $1.462500000e+01, v1  }
0x3d: {  	vm1 =	vmand @!p0 vm1, vm2  }
0x3e: {  	v0 =	vnsel @!p0 vm1, $0x0, v0  }
0x3f: {  	s26 =	simm.s32 $0x10;
	v0 =	vsel @!p0 vm0, v0, v2  }
0x40: {  	s29 =	sadd.s32 $0x0, s6;
	s28 =	simm.s32 $0x180;
	s25 =	simm.s32 $0x80;
	[tilespmem:$0x80] =	vst @!p0 v0  }
.LBB2_6:
0x41: {  	[hbm4b:s29+s3] =	stream.linear.scatter [tilespmem:s25], [sflag:$0x3], $0x80, $0x38;
	[tilespmem:$0x10080] =	vst v63  }
0x42: {  	s29 =	smov.u32 s26;
	s25 =	smov.u32 s28;
	p1 =	sne.s32 s26, $0xFF0  }
.Ltmp2:
0x43: {  	s26 =	sadd.s32 $0x10, s26;
	(pc) =	sbr.rel @p1 .LBB2_6-.Ltmp2, $2  }
0x44: {  	_ =	sdelay $0x2  }
0x45: {  	s28 =	sadd.s32 $0x100, s28;
	s29 =	sadd.s32 s29, s6  }
0x46: {  	[hbm4b:s29+s3] =	stream.linear.scatter [tilespmem:s25], [sflag:$0x3], $0x80, $0x38;
	[tilespmem:$0x10080] =	vst v63  }
0x47: {  	_ =	swait.ge [sflag:s22], $0x8000  }
0x48: {  	[sflag:s22] =	ssyncset.done $0x0  }
0x49: {  	[sflag:s22] =	ssyncadd.s32 $0xFFFF8000  }
0x4a: {  	_ =	swait.ge [sflag:s23], $0x8000  }
0x4b: {  	s25 =	simm.s32 $0x80;
	s26 =	simm.s32 $0x10;
	[sflag:s23] =	ssyncset.done $0x0  }
0x4c: {  	s29 =	sadd.s32 $0x0, s7;
	s28 =	simm.s32 $0x180;
	[sflag:s23] =	ssyncadd.s32 $0xFFFF8000  }
.LBB2_8:
0x4d: {  	[tilespmem:s25], [sflag:$0x1] =	stream.linear.gather [hbm4b:s29+s3], $0x80, $0x38;
	[tilespmem:$0x10080] =	vst v63  }
0x4e: {  	s29 =	smov.u32 s26;
	s25 =	smov.u32 s28;
	p1 =	sne.s32 s26, $0xFF0  }
.Ltmp3:
0x4f: {  	s26 =	sadd.s32 $0x10, s26;
	(pc) =	sbr.rel @p1 .LBB2_8-.Ltmp3, $2  }
0x50: {  	_ =	sdelay $0x2  }
0x51: {  	s28 =	sadd.s32 $0x100, s28;
	s29 =	sadd.s32 s29, s7  }
0x52: {  	[tilespmem:s25], [sflag:$0x1] =	stream.linear.gather [hbm4b:s29+s3], $0x80, $0x38;
	[tilespmem:$0x10080] =	vst v63  }
0x53: {  	s25 =	simm.s32 $0x100  }
0x54: {  	s26 =	simm.s32 $0x10;
	s29 =	sadd.s32 $0x0, s8;
	s28 =	simm.s32 $0x200  }
.LBB2_10:
0x55: {  	[hbm4b:s29+s3] =	stream.linear.scatter [tilespmem:s25], [sflag:$0x3], $0x80, $0x38;
	[tilespmem:$0x10080] =	vst v63  }
0x56: {  	s29 =	smov.u32 s26;
	s25 =	smov.u32 s28;
	p1 =	sne.s32 s26, $0xFF0  }
.Ltmp4:
0x57: {  	s26 =	sadd.s32 $0x10, s26;
	(pc) =	sbr.rel @p1 .LBB2_10-.Ltmp4, $2  }
0x58: {  	_ =	sdelay $0x2  }
0x59: {  	s28 =	sadd.s32 $0x100, s28;
	s29 =	sadd.s32 s29, s8  }
0x5a: {  	[hbm4b:s29+s3] =	stream.linear.scatter [tilespmem:s25], [sflag:$0x3], $0x80, $0x38;
	[tilespmem:$0x10080] =	vst v63  }
0x5b: {  	_ =	swait.ge [sflag:s22], $0x8000  }
0x5c: {  	[sflag:s22] =	ssyncset.done $0x0  }
0x5d: {  	[sflag:s22] =	ssyncadd.s32 $0xFFFF8000  }
0x5e: {  	_ =	swait.ge [sflag:s21], $0x8000  }
0x5f: {  	s25 =	simm.s32 $0x100;
	s26 =	simm.s32 $0x10;
	[sflag:s21] =	ssyncset.done $0x0  }
0x60: {  	s29 =	sadd.s32 $0x0, s9;
	s28 =	simm.s32 $0x200;
	[sflag:s21] =	ssyncadd.s32 $0xFFFF8000  }
.LBB2_12:
0x61: {  	[tilespmem:s25], [sflag:$0x2] =	stream.linear.gather [hbm4b:s29+s3], $0x80, $0x38;
	[tilespmem:$0x10080] =	vst v63  }
0x62: {  	s29 =	smov.u32 s26;
	s25 =	smov.u32 s28;
	p1 =	sne.s32 s26, $0xFF0  }
.Ltmp5:
0x63: {  	s26 =	sadd.s32 $0x10, s26;
	(pc) =	sbr.rel @p1 .LBB2_12-.Ltmp5, $2  }
0x64: {  	_ =	sdelay $0x2  }
0x65: {  	s28 =	sadd.s32 $0x100, s28;
	s29 =	sadd.s32 s29, s9  }
0x66: {  	[tilespmem:s25], [sflag:$0x2] =	stream.linear.gather [hbm4b:s29+s3], $0x80, $0x38;
	[tilespmem:$0x10080] =	vst v63  }
0x67: {  	s25 =	simm.s32 $0x80  }
0x68: {  	s26 =	simm.s32 $0x10;
	s29 =	sadd.s32 $0x0, s10;
	s28 =	simm.s32 $0x180  }
.LBB2_14:
0x69: {  	[hbm4b:s29+s3] =	stream.linear.scatter [tilespmem:s25], [sflag:$0x3], $0x80, $0x38;
	[tilespmem:$0x10080] =	vst v63  }
0x6a: {  	s29 =	smov.u32 s26;
	s25 =	smov.u32 s28;
	p1 =	sne.s32 s26, $0xFF0  }
.Ltmp6:
0x6b: {  	s26 =	sadd.s32 $0x10, s26;
	(pc) =	sbr.rel @p1 .LBB2_14-.Ltmp6, $2  }
0x6c: {  	_ =	sdelay $0x2  }
0x6d: {  	s28 =	sadd.s32 $0x100, s28;
	s29 =	sadd.s32 s29, s10  }
0x6e: {  	[hbm4b:s29+s3] =	stream.linear.scatter [tilespmem:s25], [sflag:$0x3], $0x80, $0x38;
	[tilespmem:$0x10080] =	vst v63  }
0x6f: {  	_ =	swait.ge [sflag:s22], $0x8000  }
0x70: {  	[sflag:s22] =	ssyncset.done $0x0  }
0x71: {  	[sflag:s22] =	ssyncadd.s32 $0xFFFF8000  }
0x72: {  	_ =	swait.ge [sflag:s23], $0x8000  }
0x73: {  	s25 =	simm.s32 $0x80;
	s26 =	simm.s32 $0x10;
	[sflag:s23] =	ssyncset.done $0x0  }
0x74: {  	s29 =	sadd.s32 $0x0, s11;
	s28 =	simm.s32 $0x180;
	[sflag:s23] =	ssyncadd.s32 $0xFFFF8000  }
.LBB2_16:
0x75: {  	[tilespmem:s25], [sflag:$0x1] =	stream.linear.gather [hbm4b:s29+s3], $0x80, $0x38;
	[tilespmem:$0x10080] =	vst v63  }
0x76: {  	s29 =	smov.u32 s26;
	s25 =	smov.u32 s28;
	p1 =	sne.s32 s26, $0xFF0  }
.Ltmp7:
0x77: {  	s26 =	sadd.s32 $0x10, s26;
	(pc) =	sbr.rel @p1 .LBB2_16-.Ltmp7, $2  }
0x78: {  	_ =	sdelay $0x2  }
0x79: {  	s28 =	sadd.s32 $0x100, s28;
	s29 =	sadd.s32 s29, s11  }
0x7a: {  	[tilespmem:s25], [sflag:$0x1] =	stream.linear.gather [hbm4b:s29+s3], $0x80, $0x38;
	[tilespmem:$0x10080] =	vst v63  }
0x7b: {  	s25 =	simm.s32 $0x100  }
0x7c: {  	s26 =	simm.s32 $0x10;
	s29 =	sadd.s32 $0x0, s12;
	s28 =	simm.s32 $0x200  }
.LBB2_18:
0x7d: {  	[hbm4b:s29+s3] =	stream.linear.scatter [tilespmem:s25], [sflag:$0x3], $0x80, $0x38;
	[tilespmem:$0x10080] =	vst v63  }
0x7e: {  	s29 =	smov.u32 s26;
	s25 =	smov.u32 s28;
	p1 =	sne.s32 s26, $0xFF0  }
.Ltmp8:
0x7f: {  	s26 =	sadd.s32 $0x10, s26;
	(pc) =	sbr.rel @p1 .LBB2_18-.Ltmp8, $2  }
0x80: {  	_ =	sdelay $0x2  }
0x81: {  	s28 =	sadd.s32 $0x100, s28;
	s29 =	sadd.s32 s29, s12  }
0x82: {  	[hbm4b:s29+s3] =	stream.linear.scatter [tilespmem:s25], [sflag:$0x3], $0x80, $0x38;
	[tilespmem:$0x10080] =	vst v63  }
0x83: {  	_ =	swait.ge [sflag:s22], $0x8000  }
0x84: {  	[sflag:s22] =	ssyncset.done $0x0  }
0x85: {  	[sflag:s22] =	ssyncadd.s32 $0xFFFF8000  }
0x86: {  	_ =	swait.ge [sflag:s21], $0x8000  }
0x87: {  	s25 =	simm.s32 $0x100;
	s26 =	simm.s32 $0x10;
	[sflag:s21] =	ssyncset.done $0x0  }
0x88: {  	s29 =	sadd.s32 $0x0, s13;
	s28 =	simm.s32 $0x200;
	[sflag:s21] =	ssyncadd.s32 $0xFFFF8000  }
.LBB2_20:
0x89: {  	[tilespmem:s25], [sflag:$0x2] =	stream.linear.gather [hbm4b:s29+s3], $0x80, $0x38;
	[tilespmem:$0x10080] =	vst v63  }
0x8a: {  	s29 =	smov.u32 s26;
	s25 =	smov.u32 s28;
	p1 =	sne.s32 s26, $0xFF0  }
.Ltmp9:
0x8b: {  	s26 =	sadd.s32 $0x10, s26;
	(pc) =	sbr.rel @p1 .LBB2_20-.Ltmp9, $2  }
0x8c: {  	_ =	sdelay $0x2  }
0x8d: {  	s28 =	sadd.s32 $0x100, s28;
	s29 =	sadd.s32 s29, s13  }
0x8e: {  	[tilespmem:s25], [sflag:$0x2] =	stream.linear.gather [hbm4b:s29+s3], $0x80, $0x38;
	[tilespmem:$0x10080] =	vst v63  }
0x8f: {  	s25 =	simm.s32 $0x80  }
0x90: {  	s26 =	simm.s32 $0x10;
	s29 =	sadd.s32 $0x0, s14;
	s28 =	simm.s32 $0x180  }
.LBB2_22:
0x91: {  	[hbm4b:s29+s3] =	stream.linear.scatter [tilespmem:s25], [sflag:$0x3], $0x80, $0x38;
	[tilespmem:$0x10080] =	vst v63  }
0x92: {  	s29 =	smov.u32 s26;
	s25 =	smov.u32 s28;
	p1 =	sne.s32 s26, $0xFF0  }
.Ltmp10:
0x93: {  	s26 =	sadd.s32 $0x10, s26;
	(pc) =	sbr.rel @p1 .LBB2_22-.Ltmp10, $2  }
0x94: {  	_ =	sdelay $0x2  }
0x95: {  	s28 =	sadd.s32 $0x100, s28;
	s29 =	sadd.s32 s29, s14  }
0x96: {  	[hbm4b:s29+s3] =	stream.linear.scatter [tilespmem:s25], [sflag:$0x3], $0x80, $0x38;
	[tilespmem:$0x10080] =	vst v63  }
0x97: {  	_ =	swait.ge [sflag:s22], $0x8000  }
0x98: {  	[sflag:s22] =	ssyncset.done $0x0  }
0x99: {  	[sflag:s22] =	ssyncadd.s32 $0xFFFF8000  }
0x9a: {  	_ =	swait.ge [sflag:s23], $0x8000  }
0x9b: {  	s25 =	simm.s32 $0x80;
	s26 =	simm.s32 $0x10;
	[sflag:s23] =	ssyncset.done $0x0  }
0x9c: {  	s29 =	sadd.s32 $0x0, s15;
	s28 =	simm.s32 $0x180;
	[sflag:s23] =	ssyncadd.s32 $0xFFFF8000  }
.LBB2_24:
0x9d: {  	[tilespmem:s25], [sflag:$0x1] =	stream.linear.gather [hbm4b:s29+s3], $0x80, $0x38;
	[tilespmem:$0x10080] =	vst v63  }
0x9e: {  	s29 =	smov.u32 s26;
	s25 =	smov.u32 s28;
	p1 =	sne.s32 s26, $0xFF0  }
.Ltmp11:
0x9f: {  	s26 =	sadd.s32 $0x10, s26;
	(pc) =	sbr.rel @p1 .LBB2_24-.Ltmp11, $2  }
0xa0: {  	_ =	sdelay $0x2  }
0xa1: {  	s28 =	sadd.s32 $0x100, s28;
	s29 =	sadd.s32 s29, s15  }
0xa2: {  	[tilespmem:s25], [sflag:$0x1] =	stream.linear.gather [hbm4b:s29+s3], $0x80, $0x38;
	[tilespmem:$0x10080] =	vst v63  }
0xa3: {  	s25 =	simm.s32 $0x100  }
0xa4: {  	s26 =	simm.s32 $0x10;
	s29 =	sadd.s32 $0x0, s16;
	s28 =	simm.s32 $0x200  }
.LBB2_26:
0xa5: {  	[hbm4b:s29+s3] =	stream.linear.scatter [tilespmem:s25], [sflag:$0x3], $0x80, $0x38;
	[tilespmem:$0x10080] =	vst v63  }
0xa6: {  	s29 =	smov.u32 s26;
	s25 =	smov.u32 s28;
	p1 =	sne.s32 s26, $0xFF0  }
.Ltmp12:
0xa7: {  	s26 =	sadd.s32 $0x10, s26;
	(pc) =	sbr.rel @p1 .LBB2_26-.Ltmp12, $2  }
0xa8: {  	_ =	sdelay $0x2  }
0xa9: {  	s28 =	sadd.s32 $0x100, s28;
	s29 =	sadd.s32 s29, s16  }
0xaa: {  	[hbm4b:s29+s3] =	stream.linear.scatter [tilespmem:s25], [sflag:$0x3], $0x80, $0x38;
	[tilespmem:$0x10080] =	vst v63  }
0xab: {  	_ =	swait.ge [sflag:s22], $0x8000  }
0xac: {  	[sflag:s22] =	ssyncset.done $0x0  }
0xad: {  	[sflag:s22] =	ssyncadd.s32 $0xFFFF8000  }
0xae: {  	_ =	swait.ge [sflag:s21], $0x8000  }
0xaf: {  	s25 =	simm.s32 $0x100;
	s26 =	simm.s32 $0x10;
	[sflag:s21] =	ssyncset.done $0x0  }
0xb0: {  	s29 =	sadd.s32 $0x0, s17;
	s28 =	simm.s32 $0x200;
	[sflag:s21] =	ssyncadd.s32 $0xFFFF8000  }
.LBB2_28:
0xb1: {  	[tilespmem:s25], [sflag:$0x2] =	stream.linear.gather [hbm4b:s29+s3], $0x80, $0x38;
	[tilespmem:$0x10080] =	vst v63  }
0xb2: {  	s29 =	smov.u32 s26;
	s25 =	smov.u32 s28;
	p1 =	sne.s32 s26, $0xFF0  }
.Ltmp13:
0xb3: {  	s26 =	sadd.s32 $0x10, s26;
	(pc) =	sbr.rel @p1 .LBB2_28-.Ltmp13, $2  }
0xb4: {  	_ =	sdelay $0x2  }
0xb5: {  	s28 =	sadd.s32 $0x100, s28;
	s29 =	sadd.s32 s29, s17  }
0xb6: {  	[tilespmem:s25], [sflag:$0x2] =	stream.linear.gather [hbm4b:s29+s3], $0x80, $0x38;
	[tilespmem:$0x10080] =	vst v63  }
0xb7: {  	s25 =	simm.s32 $0x80  }
0xb8: {  	s26 =	simm.s32 $0x10;
	s29 =	sadd.s32 $0x0, s18;
	s28 =	simm.s32 $0x180  }
.LBB2_30:
0xb9: {  	[hbm4b:s29+s3] =	stream.linear.scatter [tilespmem:s25], [sflag:$0x3], $0x80, $0x38;
	[tilespmem:$0x10080] =	vst v63  }
0xba: {  	s29 =	smov.u32 s26;
	s25 =	smov.u32 s28;
	p1 =	sne.s32 s26, $0xFF0  }
.Ltmp14:
0xbb: {  	s26 =	sadd.s32 $0x10, s26;
	(pc) =	sbr.rel @p1 .LBB2_30-.Ltmp14, $2  }
0xbc: {  	_ =	sdelay $0x2  }
0xbd: {  	s28 =	sadd.s32 $0x100, s28;
	s29 =	sadd.s32 s29, s18  }
0xbe: {  	[hbm4b:s29+s3] =	stream.linear.scatter [tilespmem:s25], [sflag:$0x3], $0x80, $0x38;
	[tilespmem:$0x10080] =	vst v63  }
0xbf: {  	_ =	swait.ge [sflag:s22], $0x8000  }
0xc0: {  	[sflag:s22] =	ssyncset.done $0x0  }
0xc1: {  	[sflag:s22] =	ssyncadd.s32 $0xFFFF8000  }
0xc2: {  	_ =	swait.ge [sflag:s23], $0x8000  }
0xc3: {  	s25 =	simm.s32 $0x100;
	s26 =	simm.s32 $0x10;
	[sflag:s23] =	ssyncset.done $0x0  }
0xc4: {  	s29 =	sadd.s32 $0x0, s19;
	s28 =	simm.s32 $0x200;
	[sflag:s23] =	ssyncadd.s32 $0xFFFF8000  }
.LBB2_32:
0xc5: {  	[hbm4b:s29+s3] =	stream.linear.scatter [tilespmem:s25], [sflag:$0x3], $0x80, $0x38;
	[tilespmem:$0x10080] =	vst v63  }
0xc6: {  	s29 =	smov.u32 s26;
	s25 =	smov.u32 s28;
	p1 =	sne.s32 s26, $0xFF0  }
.Ltmp15:
0xc7: {  	s26 =	sadd.s32 $0x10, s26;
	(pc) =	sbr.rel @p1 .LBB2_32-.Ltmp15, $2  }
0xc8: {  	_ =	sdelay $0x2  }
0xc9: {  	s28 =	sadd.s32 $0x100, s28;
	s29 =	sadd.s32 s29, s19  }
0xca: {  	s24 =	sadd.s32 $0x1, s24  }
0xcb: {  	p1 =	sne.s32 s24, s20  }
.Ltmp16:
0xcc: {  	_ = 	snop;
	(pc) =	sbr.rel @p1 .LBB2_1-.Ltmp16, $4  }
0xcd: {  	[hbm4b:s29+s3] =	stream.linear.scatter [tilespmem:s25], [sflag:$0x3], $0x80, $0x38;
	[tilespmem:$0x10080] =	vst v63  }
0xce: {  	_ =	swait.ge [sflag:s22], $0x8000  }
0xcf: {  	[sflag:s22] =	ssyncset.done $0x0  }
0xd0: {  	[sflag:s22] =	ssyncadd.s32 $0xFFFF8000  }
0xd1: {  	_ =	sfence.sel $0x180000  }
0xd2: {  	[bflag:$0x0] =	sbarrier.arrive $0xFFFF  }
0xd3: {  	p0 =	sne.s32 s2, $0x0;
	_ =	strace $0x90000047  }
0xd4: {  	s0 =	sadd.s32 @!p0 $0x100000, s0;
	[bflag:$0x2] =	sbarrier.arrive $0xFFFF  }
0xd5: {  	[sflag:s0] =	ssyncadd.tile.s32 @!p0 $0x1;
	_ =	shalt  }
.Lfunc_end2:
_tile_overlayer_lowered:
.L_overlay_start_2:
0xd6: {  	(tag) =	ssettag $0x2  }
0xd7: {  	s0 =	rddreg [dreg:$0x0];
	s2 =	stileid.u32  }
0xd8: {  	s1 =	rddreg [dreg:$0x1];
	p0 =	sne.s32 s2, $0x0  }
0xd9: {  	s3 =	rddreg [dreg:$0x2];
	[bflag:$0x3] =	sbarrier.arrive $0xFFFF;
	s2 =	simm.s32 @!p0 $0x1C03  }
0xda: {  	[timem:s3], [sflag:s2] =	dma.local @!p0 [hbm:s0], s1  }
0xdb: {  	s0 =	simm.s32 @!p0 $0x3  }
0xdc: {  	_ =	swait.ge @!p0 [sflag:s0], s1  }
0xdd: {  	s1 =	ssub.s32 @!p0 $0x0, s1;
	[sflag:s0] =	ssyncset.done @!p0 $0x0  }
0xde: {  	[sflag:s0] =	ssyncadd.s32 @!p0 s1  }
0xdf: {  	[bflag:$0x3] =	sbarrier.arrive $0xFFFF  }
0xe0: {  	_ =	shalt  }

</sc_bundles>
